<compile_context>
chip_gen: v7x
topology: tpu7x:2x2x1
jax: 0.10.2.dev20260603
libtpu: 0.0.44.dev20260713+nightly
codegen_flags: <defaults>
</compile_context>

<pallas_src>
import functools
import math

import numpy as np
import jax
import jax.numpy as jnp
from jax import lax
from jax.experimental import pallas as pl
from jax.experimental.pallas import tpu as pltpu
from jax.experimental.pallas import tpu_sc as plsc

T = 6
C = 128
G = 1024
HEADS = 4
HEAD_DIM = C // HEADS
K_KEEP = 4
IH = T * HEADS
PACK = T * IH
BN = 512


def _build_consts():
    r62 = np.zeros((2 * T * C, IH), np.float32)
    for half in range(2):
        for i in range(T):
            for d in range(C):
                r62[half * T * C + i * C + d, i * HEADS + d // HEAD_DIM] = 1.0
    jidx2 = np.zeros((PACK,), np.int32)
    for j in range(T):
        for q in range(IH):
            jidx2[j * IH + q] = j
    pout2 = np.zeros((PACK, PACK), np.float32)
    for j in range(T):
        for i in range(T):
            for h in range(HEADS):
                pout2[j * IH + i * HEADS + h, h * T * T + i * T + j] = 1.0
    bbig24 = np.zeros((IH, T * C), np.float32)
    for i in range(T):
        for h in range(HEADS):
            for d in range(C):
                if d // HEAD_DIM == h:
                    bbig24[i * HEADS + h, i * C + d] = 1.0
    return r62, jidx2, pout2, bbig24


_R62, _JIDX2, _POUT2, _BBIG24 = _build_consts()


def _attn_kernel(emb_ref, acg_ref, wkt_ref, bk_ref, wqt_ref, bq_ref,
                 wgj_ref, bgj_ref, r62_ref, pout_ref, bbig_ref,
                 ctx_ref, attn_ref):
    f32 = jnp.float32
    bf16 = jnp.bfloat16
    xs = [emb_ref[:, i * C:(i + 1) * C] for i in range(T)]
    xbs = [x.astype(bf16) for x in xs]
    wkt = wkt_ref[...]
    wqt = wqt_ref[...]
    bk = bk_ref[...]
    bq = bq_ref[...]
    ks = [jnp.dot(x, wkt, preferred_element_type=f32) + bk for x in xbs]
    qs = [jnp.dot(x, wqt, preferred_element_type=f32) + bq for x in xbs]
    kbs = [k.astype(bf16).astype(f32) for k in ks]
    qbs = [q.astype(bf16).astype(f32) for q in qs]

    gate = jnp.dot(acg_ref[...].astype(bf16), wgj_ref[...],
                   preferred_element_type=f32) + bgj_ref[...]

    inv_rsqrt = f32(1.0 / math.sqrt(HEAD_DIM))
    r62 = r62_ref[...]
    s = []
    for j in range(T):
        prod = jnp.concatenate([qbs[i] * kbs[j] for i in range(T)], axis=1)
        hi = prod.astype(bf16)
        lo = (prod - hi.astype(f32)).astype(bf16)
        sj = jnp.dot(jnp.concatenate([hi, lo], axis=1), r62,
                     preferred_element_type=f32)
        s.append(sj * inv_rsqrt * gate[:, j * IH:(j + 1) * IH])

    ab = [jnp.abs(x) for x in s]
    ranks = [jnp.full_like(ab[j], float(T - 1 - j)) for j in range(T)]
    for x in range(T):
        for y in range(x + 1, T):
            c = (ab[x] >= ab[y]).astype(f32)
            ranks[y] = ranks[y] + c
            ranks[x] = ranks[x] - c
    keep = [r < float(K_KEEP) for r in ranks]

    neg = f32(-3.0e38)
    masked = [jnp.where(keep[j], s[j], neg) for j in range(T)]
    m = masked[0]
    for j in range(1, T):
        m = jnp.maximum(m, masked[j])
    e = [jnp.where(keep[j], jnp.exp(s[j] - m), 0.0) for j in range(T)]
    z = e[0]
    for j in range(1, T):
        z = z + e[j]
    rz = 1.0 / z
    a = [e[j] * rz for j in range(T)]

    ab16 = [x.astype(bf16) for x in a]
    acat = jnp.concatenate(ab16, axis=1)
    attn_ref[...] = jnp.dot(acat, pout_ref[...], preferred_element_type=f32)

    bbig = bbig_ref[...]
    bc = [jnp.dot(x, bbig, preferred_element_type=f32) for x in ab16]
    for i in range(T):
        acc = bc[0][:, i * C:(i + 1) * C] * xs[0]
        for j in range(1, T):
            acc = acc + bc[j][:, i * C:(i + 1) * C] * xs[j]
        ctx_ref[:, i, :] = acc


def _tc_specs(n):
    grid = (n // BN,)

    def rows2(i):
        return (i, 0)

    def const2(i):
        return (0, 0)

    in_specs = [
        pl.BlockSpec((BN, T * C), rows2),
        pl.BlockSpec((BN, 128), rows2),
        pl.BlockSpec((C, C), const2),
        pl.BlockSpec((1, C), const2),
        pl.BlockSpec((C, C), const2),
        pl.BlockSpec((1, C), const2),
        pl.BlockSpec((128, PACK), const2),
        pl.BlockSpec((1, PACK), const2),
        pl.BlockSpec((2 * T * C, IH), const2),
        pl.BlockSpec((PACK, PACK), const2),
        pl.BlockSpec((IH, T * C), const2),
    ]
    out_specs = [
        pl.BlockSpec((BN, T, C), lambda i: (i, 0, 0)),
        pl.BlockSpec((BN, PACK), rows2),
    ]
    out_shape = [
        jax.ShapeDtypeStruct((n, T, C), jnp.float32),
        jax.ShapeDtypeStruct((n, PACK), jnp.float32),
    ]
    return grid, in_specs, out_specs, out_shape


def _run_attention(embeddings, acg, wkt, bk2, wqt, bq2, wgj, bgj):
    n = embeddings.shape[0]
    grid, in_specs, out_specs, out_shape = _tc_specs(n)
    return pl.pallas_call(
        _attn_kernel,
        grid=grid,
        in_specs=in_specs,
        out_specs=out_specs,
        out_shape=out_shape,
        compiler_params=pltpu.CompilerParams(
            dimension_semantics=("parallel",)),
    )(embeddings, acg, wkt, bk2, wqt, bq2, wgj, bgj,
      _R62, jnp.asarray(_POUT2, jnp.bfloat16), jnp.asarray(_BBIG24, jnp.bfloat16))


def _sc_gather(table, idx):
    n = idx.shape[0]
    info = plsc.get_sparse_core_info()
    nc = info.num_cores
    nw = nc * info.num_subcores
    bpw = n // nw
    nch = 4
    ch = bpw // nch
    mesh = plsc.VectorSubcoreMesh(core_axis_name="c", subcore_axis_name="s")

    @functools.partial(
        pl.kernel, mesh=mesh,
        out_type=jax.ShapeDtypeStruct((n, 128), jnp.float32),
        scratch_types=[
            pltpu.VMEM((bpw,), jnp.int32),
            pltpu.VMEM((ch, 128), jnp.float32),
            pltpu.VMEM((ch, 128), jnp.float32),
            pltpu.SemaphoreType.DMA,
            pltpu.SemaphoreType.DMA,
        ],
    )
    def gk(table_hbm, idx_hbm, out_hbm, idx_v, rows_a, rows_b, sem_a, sem_b):
        wid = lax.axis_index("s") * nc + lax.axis_index("c")
        base = wid * bpw
        pltpu.sync_copy(idx_hbm.at[pl.ds(base, bpw)], idx_v)
        bufs = (rows_a, rows_b)
        sems = (sem_a, sem_b)
        cps = []
        for k in range(nch):
            cps.append(pltpu.async_copy(
                table_hbm.at[idx_v.at[pl.ds(k * ch, ch)]],
                bufs[k % 2], sems[k % 2]))
            if k >= 1:
                cps[k - 1].wait()
                pltpu.sync_copy(bufs[(k - 1) % 2],
                                out_hbm.at[pl.ds(base + (k - 1) * ch, ch)])
        cps[nch - 1].wait()
        pltpu.sync_copy(bufs[(nch - 1) % 2],
                        out_hbm.at[pl.ds(base + (nch - 1) * ch, ch)])

    return gk(table, idx)


def kernel(embeddings, ac, batch, Wk, bk, Wq, bq, Wg, bg):
    n = embeddings.shape[0]
    acp = jnp.concatenate(
        [ac, jnp.zeros((G, 128 - ac.shape[1]), jnp.float32)],
        axis=1)
    acg = _sc_gather(acp, batch)

    wgt = jnp.concatenate(
        [Wg.T, jnp.zeros((128 - Wg.shape[1], T), jnp.float32)], axis=0)
    wgj = jnp.take(wgt, _JIDX2, axis=1).astype(jnp.bfloat16)
    bgj = jnp.take(bg, _JIDX2)[None, :]

    ctx, attn = _run_attention(
        embeddings.reshape(n, T * C), acg,
        Wk.T.astype(jnp.bfloat16), bk.reshape(1, C),
        Wq.T.astype(jnp.bfloat16), bq.reshape(1, C),
        wgj, bgj)
    return ctx, attn.reshape(n, HEADS, T, T)

# --- scband reference (transcript-rebuilt; emitter-appended) ---
"""Pipeline reference for scband-self-attention-gate2-72060961292403 (READ-ONLY COPY).

The authoritative reference and input builder live on the scoring server;
editing this copy changes nothing except your own understanding.
"""

import jax, jax.numpy as jnp
import numpy as np
import math

N, T, C, G = 32768, 6, 128, 1024
HEADS = 4
HEAD_DIM = C // HEADS
JIEDUAN = 4


def setup_inputs(seed: int = 0):
    key = jax.random.key(seed)
    ks = jax.random.split(key, 9)
    s = 1.0 / math.sqrt(C)
    sg = 1.0 / math.sqrt(5)
    return {
        "embeddings": jax.random.normal(ks[0], (N, T, C), dtype=jnp.float32),
        "ac": jax.random.normal(ks[1], (G, 5), dtype=jnp.float32),
        "batch": jax.random.randint(ks[2], (N,), 0, G, dtype=jnp.int32),
        "Wk": jax.random.uniform(ks[3], (C, C), jnp.float32, -s, s),
        "bk": jax.random.uniform(ks[4], (C,), jnp.float32, -s, s),
        "Wq": jax.random.uniform(ks[5], (C, C), jnp.float32, -s, s),
        "bq": jax.random.uniform(ks[6], (C,), jnp.float32, -s, s),
        "Wg": jax.random.uniform(ks[7], (6, 5), jnp.float32, -sg, sg),
        "bg": jax.random.uniform(ks[8], (6,), jnp.float32, -sg, sg),
    }


def _trans(x):
    n, t, c = x.shape
    return x.reshape(n, t, HEADS, HEAD_DIM).transpose(0, 2, 1, 3)


def reference(embeddings, ac, batch, Wk, bk, Wq, bq, Wg, bg):
    n, t, c = embeddings.shape
    keys = _trans(embeddings @ Wk.T + bk)
    queries = _trans(embeddings @ Wq.T + bq)
    values = _trans(embeddings)
    scores = jnp.matmul(queries, keys.transpose(0, 1, 3, 2)) / math.sqrt(HEAD_DIM)
    ac_gate = ac @ Wg.T + bg
    ac_gate = ac_gate[batch].reshape(n, 1, 1, 6)
    scores = scores * ac_gate
    abs_scores = jnp.abs(scores)
    topk_scores, topk_idx = jax.lax.top_k(abs_scores, JIEDUAN)
    topk_orig = jnp.take_along_axis(scores, topk_idx, axis=-1)
    onehot = jax.nn.one_hot(topk_idx, t, dtype=scores.dtype)
    scattered = jnp.sum(onehot * topk_orig[..., None], axis=-2)
    mask = jnp.sum(onehot, axis=-2) > 0
    attention = jnp.where(mask, scattered, -jnp.inf)
    attention = jax.nn.softmax(attention, axis=-1)
    context = jnp.matmul(attention, values)
    context = context.transpose(0, 2, 1, 3).reshape(n, t, c)
    return (context, attention)

if __name__ == "__main__":
    import jax
    _d = setup_inputs()
    print(jax.jit(kernel)(*tuple(_d.values())))

</pallas_src>

<mosaic_0001>
#map = affine_map<(d0, d1) -> (0, 0)>
#map1 = affine_map<(d0, d1) -> (0)>
module attributes {stable_mosaic.version = 14 : i64} {
  func.func @gk(%arg0: i32, %arg1: i32, %arg2: memref<1024x128xf32, #tpu.memory_space<hbm>>, %arg3: memref<32768xi32, #tpu.memory_space<hbm>>, %arg4: memref<32768x128xf32, #tpu.memory_space<hbm>>, %arg5: memref<1024xi32, #tpu.memory_space<vmem>>, %arg6: memref<256x128xf32, #tpu.memory_space<vmem>>, %arg7: memref<256x128xf32, #tpu.memory_space<vmem>>, %arg8: memref<!tpu.dma_semaphore, #tpu.memory_space<semaphore_mem>>, %arg9: memref<!tpu.dma_semaphore, #tpu.memory_space<semaphore_mem>>) attributes {dimension_semantics = [#tpu.dimension_semantics<core_parallel>, #tpu.dimension_semantics<subcore_parallel>], iteration_bounds = array<i64: 2, 16>, scalar_prefetch = 0 : i64, scratch_operands = 5 : i64, tpu.core_type = #tpu.core_type<sc_vector_subcore>, window_params = [{transform_indices = #map}, {transform_indices = #map1}, {transform_indices = #map}]} {
    %mul3A = arith.constant 2 : i32
    %mul3A_0 = arith.muli %arg1, %mul3A : i32
    %add3A = arith.addi %mul3A_0, %arg0 : i32
    %mul3A_1 = arith.constant 1024 : i32
    %mul3A_2 = arith.muli %add3A, %mul3A_1 : i32
    "tpu.region"() ({
      %run_scoped3A = tpu.sem_alloc : memref<!tpu.dma_semaphore, #tpu.memory_space<semaphore_mem>>
      %dma_start3A_49 = tpu.memref_slice %arg3[%mul3A_2] : memref<32768xi32, #tpu.memory_space<hbm>> -> memref<1024xi32, #tpu.memory_space<hbm>>
      %dma_start3A_50 = tpu.memref_slice %arg3[%mul3A_2] : memref<32768xi32, #tpu.memory_space<hbm>> -> memref<1024xi32, #tpu.memory_space<hbm>>
      tpu.enqueue_dma source(%dma_start3A_50 : memref<1024xi32, #tpu.memory_space<hbm>>) target(%arg5 : memref<1024xi32, #tpu.memory_space<vmem>>) target_semaphore(%run_scoped3A : memref<!tpu.dma_semaphore, #tpu.memory_space<semaphore_mem>>)
      %dma_wait3A_51 = tpu.memref_slice %arg3[%mul3A_2] : memref<32768xi32, #tpu.memory_space<hbm>> -> memref<1024xi32, #tpu.memory_space<hbm>>
      %dma_wait3A_52 = tpu.memref_slice %arg3[%mul3A_2] : memref<32768xi32, #tpu.memory_space<hbm>> -> memref<1024xi32, #tpu.memory_space<hbm>>
      tpu.wait_dma2 semaphore(%run_scoped3A : memref<!tpu.dma_semaphore, #tpu.memory_space<semaphore_mem>>) src(%dma_wait3A_52 : memref<1024xi32, #tpu.memory_space<hbm>>) dst(%arg5 : memref<1024xi32, #tpu.memory_space<vmem>>)
      tpu.yield
    }) : () -> ()
    %dma_start3A = arith.constant 0 : i32
    %dma_start3A_3 = tpu.memref_slice %arg5[%dma_start3A] : memref<1024xi32, #tpu.memory_space<vmem>> -> memref<256xi32, #tpu.memory_space<vmem>>
    %dma_start3A_4 = arith.constant 0 : i32
    %dma_start3A_5 = arith.constant 0 : i32
    %dma_start3A_6 = tpu.memref_slice %arg2[%dma_start3A_4, %dma_start3A_5] : memref<1024x128xf32, #tpu.memory_space<hbm>> -> memref<1024x128xf32, #tpu.memory_space<hbm>>
    tpu.enqueue_indirect_dma source(%dma_start3A_6 : memref<1024x128xf32, #tpu.memory_space<hbm>>) target(%arg6 : memref<256x128xf32, #tpu.memory_space<vmem>>) offsets(%dma_start3A_3 : memref<256xi32, #tpu.memory_space<vmem>>) semaphore(%arg8 : memref<!tpu.dma_semaphore, #tpu.memory_space<semaphore_mem>>)
    %dma_start3A_7 = arith.constant 256 : i32
    %dma_start3A_8 = tpu.memref_slice %arg5[%dma_start3A_7] : memref<1024xi32, #tpu.memory_space<vmem>> -> memref<256xi32, #tpu.memory_space<vmem>>
    %dma_start3A_9 = arith.constant 0 : i32
    %dma_start3A_10 = arith.constant 0 : i32
    %dma_start3A_11 = tpu.memref_slice %arg2[%dma_start3A_9, %dma_start3A_10] : memref<1024x128xf32, #tpu.memory_space<hbm>> -> memref<1024x128xf32, #tpu.memory_space<hbm>>
    tpu.enqueue_indirect_dma source(%dma_start3A_11 : memref<1024x128xf32, #tpu.memory_space<hbm>>) target(%arg7 : memref<256x128xf32, #tpu.memory_space<vmem>>) offsets(%dma_start3A_8 : memref<256xi32, #tpu.memory_space<vmem>>) semaphore(%arg9 : memref<!tpu.dma_semaphore, #tpu.memory_space<semaphore_mem>>)
    %dma_wait3A = arith.constant 0 : i32
    %dma_wait3A_12 = tpu.memref_slice %arg5[%dma_wait3A] : memref<1024xi32, #tpu.memory_space<vmem>> -> memref<256xi32, #tpu.memory_space<vmem>>
    %dma_wait3A_13 = arith.constant 0 : i32
    %dma_wait3A_14 = arith.constant 0 : i32
    %dma_wait3A_15 = tpu.memref_slice %arg2[%dma_wait3A_13, %dma_wait3A_14] : memref<1024x128xf32, #tpu.memory_space<hbm>> -> memref<1024x128xf32, #tpu.memory_space<hbm>>
    tpu.wait_indirect_dma semaphore(%arg8 : memref<!tpu.dma_semaphore, #tpu.memory_space<semaphore_mem>>) src(%dma_wait3A_15 : memref<1024x128xf32, #tpu.memory_space<hbm>>) dst(%arg6 : memref<256x128xf32, #tpu.memory_space<vmem>>)
    %add3A_16 = arith.constant 0 : i32
    %add3A_17 = arith.addi %mul3A_2, %add3A_16 : i32
    "tpu.region"() ({
      %run_scoped3A = tpu.sem_alloc : memref<!tpu.dma_semaphore, #tpu.memory_space<semaphore_mem>>
      %dma_start3A_49 = arith.constant 0 : i32
      %dma_start3A_50 = tpu.memref_slice %arg4[%add3A_17, %dma_start3A_49] : memref<32768x128xf32, #tpu.memory_space<hbm>> -> memref<256x128xf32, #tpu.memory_space<hbm>>
      %dma_start3A_51 = arith.constant 0 : i32
      %dma_start3A_52 = tpu.memref_slice %arg4[%add3A_17, %dma_start3A_51] : memref<32768x128xf32, #tpu.memory_space<hbm>> -> memref<256x128xf32, #tpu.memory_space<hbm>>
      tpu.enqueue_dma source(%arg6 : memref<256x128xf32, #tpu.memory_space<vmem>>) target(%dma_start3A_52 : memref<256x128xf32, #tpu.memory_space<hbm>>) target_semaphore(%run_scoped3A : memref<!tpu.dma_semaphore, #tpu.memory_space<semaphore_mem>>)
      %dma_wait3A_53 = arith.constant 0 : i32
      %dma_wait3A_54 = tpu.memref_slice %arg4[%add3A_17, %dma_wait3A_53] : memref<32768x128xf32, #tpu.memory_space<hbm>> -> memref<256x128xf32, #tpu.memory_space<hbm>>
      %dma_wait3A_55 = arith.constant 0 : i32
      %dma_wait3A_56 = tpu.memref_slice %arg4[%add3A_17, %dma_wait3A_55] : memref<32768x128xf32, #tpu.memory_space<hbm>> -> memref<256x128xf32, #tpu.memory_space<hbm>>
      tpu.wait_dma2 semaphore(%run_scoped3A : memref<!tpu.dma_semaphore, #tpu.memory_space<semaphore_mem>>) src(%arg6 : memref<256x128xf32, #tpu.memory_space<vmem>>) dst(%dma_wait3A_56 : memref<256x128xf32, #tpu.memory_space<hbm>>)
      tpu.yield
    }) : () -> ()
    %dma_start3A_18 = arith.constant 512 : i32
    %dma_start3A_19 = tpu.memref_slice %arg5[%dma_start3A_18] : memref<1024xi32, #tpu.memory_space<vmem>> -> memref<256xi32, #tpu.memory_space<vmem>>
    %dma_start3A_20 = arith.constant 0 : i32
    %dma_start3A_21 = arith.constant 0 : i32
    %dma_start3A_22 = tpu.memref_slice %arg2[%dma_start3A_20, %dma_start3A_21] : memref<1024x128xf32, #tpu.memory_space<hbm>> -> memref<1024x128xf32, #tpu.memory_space<hbm>>
    tpu.enqueue_indirect_dma source(%dma_start3A_22 : memref<1024x128xf32, #tpu.memory_space<hbm>>) target(%arg6 : memref<256x128xf32, #tpu.memory_space<vmem>>) offsets(%dma_start3A_19 : memref<256xi32, #tpu.memory_space<vmem>>) semaphore(%arg8 : memref<!tpu.dma_semaphore, #tpu.memory_space<semaphore_mem>>)
    %dma_wait3A_23 = arith.constant 256 : i32
    %dma_wait3A_24 = tpu.memref_slice %arg5[%dma_wait3A_23] : memref<1024xi32, #tpu.memory_space<vmem>> -> memref<256xi32, #tpu.memory_space<vmem>>
    %dma_wait3A_25 = arith.constant 0 : i32
    %dma_wait3A_26 = arith.constant 0 : i32
    %dma_wait3A_27 = tpu.memref_slice %arg2[%dma_wait3A_25, %dma_wait3A_26] : memref<1024x128xf32, #tpu.memory_space<hbm>> -> memref<1024x128xf32, #tpu.memory_space<hbm>>
    tpu.wait_indirect_dma semaphore(%arg9 : memref<!tpu.dma_semaphore, #tpu.memory_space<semaphore_mem>>) src(%dma_wait3A_27 : memref<1024x128xf32, #tpu.memory_space<hbm>>) dst(%arg7 : memref<256x128xf32, #tpu.memory_space<vmem>>)
    %add3A_28 = arith.constant 256 : i32
    %add3A_29 = arith.addi %mul3A_2, %add3A_28 : i32
    "tpu.region"() ({
      %run_scoped3A = tpu.sem_alloc : memref<!tpu.dma_semaphore, #tpu.memory_space<semaphore_mem>>
      %dma_start3A_49 = arith.constant 0 : i32
      %dma_start3A_50 = tpu.memref_slice %arg4[%add3A_29, %dma_start3A_49] : memref<32768x128xf32, #tpu.memory_space<hbm>> -> memref<256x128xf32, #tpu.memory_space<hbm>>
      %dma_start3A_51 = arith.constant 0 : i32
      %dma_start3A_52 = tpu.memref_slice %arg4[%add3A_29, %dma_start3A_51] : memref<32768x128xf32, #tpu.memory_space<hbm>> -> memref<256x128xf32, #tpu.memory_space<hbm>>
      tpu.enqueue_dma source(%arg7 : memref<256x128xf32, #tpu.memory_space<vmem>>) target(%dma_start3A_52 : memref<256x128xf32, #tpu.memory_space<hbm>>) target_semaphore(%run_scoped3A : memref<!tpu.dma_semaphore, #tpu.memory_space<semaphore_mem>>)
      %dma_wait3A_53 = arith.constant 0 : i32
      %dma_wait3A_54 = tpu.memref_slice %arg4[%add3A_29, %dma_wait3A_53] : memref<32768x128xf32, #tpu.memory_space<hbm>> -> memref<256x128xf32, #tpu.memory_space<hbm>>
      %dma_wait3A_55 = arith.constant 0 : i32
      %dma_wait3A_56 = tpu.memref_slice %arg4[%add3A_29, %dma_wait3A_55] : memref<32768x128xf32, #tpu.memory_space<hbm>> -> memref<256x128xf32, #tpu.memory_space<hbm>>
      tpu.wait_dma2 semaphore(%run_scoped3A : memref<!tpu.dma_semaphore, #tpu.memory_space<semaphore_mem>>) src(%arg7 : memref<256x128xf32, #tpu.memory_space<vmem>>) dst(%dma_wait3A_56 : memref<256x128xf32, #tpu.memory_space<hbm>>)
      tpu.yield
    }) : () -> ()
    %dma_start3A_30 = arith.constant 768 : i32
    %dma_start3A_31 = tpu.memref_slice %arg5[%dma_start3A_30] : memref<1024xi32, #tpu.memory_space<vmem>> -> memref<256xi32, #tpu.memory_space<vmem>>
    %dma_start3A_32 = arith.constant 0 : i32
    %dma_start3A_33 = arith.constant 0 : i32
    %dma_start3A_34 = tpu.memref_slice %arg2[%dma_start3A_32, %dma_start3A_33] : memref<1024x128xf32, #tpu.memory_space<hbm>> -> memref<1024x128xf32, #tpu.memory_space<hbm>>
    tpu.enqueue_indirect_dma source(%dma_start3A_34 : memref<1024x128xf32, #tpu.memory_space<hbm>>) target(%arg7 : memref<256x128xf32, #tpu.memory_space<vmem>>) offsets(%dma_start3A_31 : memref<256xi32, #tpu.memory_space<vmem>>) semaphore(%arg9 : memref<!tpu.dma_semaphore, #tpu.memory_space<semaphore_mem>>)
    %dma_wait3A_35 = arith.constant 512 : i32
    %dma_wait3A_36 = tpu.memref_slice %arg5[%dma_wait3A_35] : memref<1024xi32, #tpu.memory_space<vmem>> -> memref<256xi32, #tpu.memory_space<vmem>>
    %dma_wait3A_37 = arith.constant 0 : i32
    %dma_wait3A_38 = arith.constant 0 : i32
    %dma_wait3A_39 = tpu.memref_slice %arg2[%dma_wait3A_37, %dma_wait3A_38] : memref<1024x128xf32, #tpu.memory_space<hbm>> -> memref<1024x128xf32, #tpu.memory_space<hbm>>
    tpu.wait_indirect_dma semaphore(%arg8 : memref<!tpu.dma_semaphore, #tpu.memory_space<semaphore_mem>>) src(%dma_wait3A_39 : memref<1024x128xf32, #tpu.memory_space<hbm>>) dst(%arg6 : memref<256x128xf32, #tpu.memory_space<vmem>>)
    %add3A_40 = arith.constant 512 : i32
    %add3A_41 = arith.addi %mul3A_2, %add3A_40 : i32
    "tpu.region"() ({
      %run_scoped3A = tpu.sem_alloc : memref<!tpu.dma_semaphore, #tpu.memory_space<semaphore_mem>>
      %dma_start3A_49 = arith.constant 0 : i32
      %dma_start3A_50 = tpu.memref_slice %arg4[%add3A_41, %dma_start3A_49] : memref<32768x128xf32, #tpu.memory_space<hbm>> -> memref<256x128xf32, #tpu.memory_space<hbm>>
      %dma_start3A_51 = arith.constant 0 : i32
      %dma_start3A_52 = tpu.memref_slice %arg4[%add3A_41, %dma_start3A_51] : memref<32768x128xf32, #tpu.memory_space<hbm>> -> memref<256x128xf32, #tpu.memory_space<hbm>>
      tpu.enqueue_dma source(%arg6 : memref<256x128xf32, #tpu.memory_space<vmem>>) target(%dma_start3A_52 : memref<256x128xf32, #tpu.memory_space<hbm>>) target_semaphore(%run_scoped3A : memref<!tpu.dma_semaphore, #tpu.memory_space<semaphore_mem>>)
      %dma_wait3A_53 = arith.constant 0 : i32
      %dma_wait3A_54 = tpu.memref_slice %arg4[%add3A_41, %dma_wait3A_53] : memref<32768x128xf32, #tpu.memory_space<hbm>> -> memref<256x128xf32, #tpu.memory_space<hbm>>
      %dma_wait3A_55 = arith.constant 0 : i32
      %dma_wait3A_56 = tpu.memref_slice %arg4[%add3A_41, %dma_wait3A_55] : memref<32768x128xf32, #tpu.memory_space<hbm>> -> memref<256x128xf32, #tpu.memory_space<hbm>>
      tpu.wait_dma2 semaphore(%run_scoped3A : memref<!tpu.dma_semaphore, #tpu.memory_space<semaphore_mem>>) src(%arg6 : memref<256x128xf32, #tpu.memory_space<vmem>>) dst(%dma_wait3A_56 : memref<256x128xf32, #tpu.memory_space<hbm>>)
      tpu.yield
    }) : () -> ()
    %dma_wait3A_42 = arith.constant 768 : i32
    %dma_wait3A_43 = tpu.memref_slice %arg5[%dma_wait3A_42] : memref<1024xi32, #tpu.memory_space<vmem>> -> memref<256xi32, #tpu.memory_space<vmem>>
    %dma_wait3A_44 = arith.constant 0 : i32
    %dma_wait3A_45 = arith.constant 0 : i32
    %dma_wait3A_46 = tpu.memref_slice %arg2[%dma_wait3A_44, %dma_wait3A_45] : memref<1024x128xf32, #tpu.memory_space<hbm>> -> memref<1024x128xf32, #tpu.memory_space<hbm>>
    tpu.wait_indirect_dma semaphore(%arg9 : memref<!tpu.dma_semaphore, #tpu.memory_space<semaphore_mem>>) src(%dma_wait3A_46 : memref<1024x128xf32, #tpu.memory_space<hbm>>) dst(%arg7 : memref<256x128xf32, #tpu.memory_space<vmem>>)
    %add3A_47 = arith.constant 768 : i32
    %add3A_48 = arith.addi %mul3A_2, %add3A_47 : i32
    "tpu.region"() ({
      %run_scoped3A = tpu.sem_alloc : memref<!tpu.dma_semaphore, #tpu.memory_space<semaphore_mem>>
      %dma_start3A_49 = arith.constant 0 : i32
      %dma_start3A_50 = tpu.memref_slice %arg4[%add3A_48, %dma_start3A_49] : memref<32768x128xf32, #tpu.memory_space<hbm>> -> memref<256x128xf32, #tpu.memory_space<hbm>>
      %dma_start3A_51 = arith.constant 0 : i32
      %dma_start3A_52 = tpu.memref_slice %arg4[%add3A_48, %dma_start3A_51] : memref<32768x128xf32, #tpu.memory_space<hbm>> -> memref<256x128xf32, #tpu.memory_space<hbm>>
      tpu.enqueue_dma source(%arg7 : memref<256x128xf32, #tpu.memory_space<vmem>>) target(%dma_start3A_52 : memref<256x128xf32, #tpu.memory_space<hbm>>) target_semaphore(%run_scoped3A : memref<!tpu.dma_semaphore, #tpu.memory_space<semaphore_mem>>)
      %dma_wait3A_53 = arith.constant 0 : i32
      %dma_wait3A_54 = tpu.memref_slice %arg4[%add3A_48, %dma_wait3A_53] : memref<32768x128xf32, #tpu.memory_space<hbm>> -> memref<256x128xf32, #tpu.memory_space<hbm>>
      %dma_wait3A_55 = arith.constant 0 : i32
      %dma_wait3A_56 = tpu.memref_slice %arg4[%add3A_48, %dma_wait3A_55] : memref<32768x128xf32, #tpu.memory_space<hbm>> -> memref<256x128xf32, #tpu.memory_space<hbm>>
      tpu.wait_dma2 semaphore(%run_scoped3A : memref<!tpu.dma_semaphore, #tpu.memory_space<semaphore_mem>>) src(%arg7 : memref<256x128xf32, #tpu.memory_space<vmem>>) dst(%dma_wait3A_56 : memref<256x128xf32, #tpu.memory_space<hbm>>)
      tpu.yield
    }) : () -> ()
    return
  }
}

module attributes {stable_mosaic.version = 14 : i64} {
  func.func @_attn_kernel(%arg0: i32, %arg1: memref<512x768xf32, #tpu.memory_space<vmem>>, %arg2: memref<512x128xf32, #tpu.memory_space<vmem>>, %arg3: memref<128x128xbf16, #tpu.memory_space<vmem>>, %arg4: memref<1x128xf32, #tpu.memory_space<vmem>>, %arg5: memref<128x128xbf16, #tpu.memory_space<vmem>>, %arg6: memref<1x128xf32, #tpu.memory_space<vmem>>, %arg7: memref<128x144xbf16, #tpu.memory_space<vmem>>, %arg8: memref<1x144xf32, #tpu.memory_space<vmem>>, %arg9: memref<1536x24xf32, #tpu.memory_space<vmem>>, %arg10: memref<144x144xbf16, #tpu.memory_space<vmem>>, %arg11: memref<24x768xbf16, #tpu.memory_space<vmem>>, %arg12: memref<512x6x128xf32, #tpu.memory_space<vmem>>, %arg13: memref<512x144xf32, #tpu.memory_space<vmem>>) attributes {dimension_semantics = [#tpu.dimension_semantics<parallel>], iteration_bounds = array<i64: 64>, scalar_prefetch = 0 : i64, scratch_operands = 0 : i64, tpu.core_type = #tpu.core_type<tc>, window_params = [{transform_indices = @transform_0, window_bounds = array<i64: 512, 768>}, {transform_indices = @transform_1, window_bounds = array<i64: 512, 128>}, {pipeline_mode = #tpu.pipeline_mode<synchronous>, transform_indices = @transform_2, window_bounds = array<i64: 128, 128>}, {pipeline_mode = #tpu.pipeline_mode<synchronous>, transform_indices = @transform_3, window_bounds = array<i64: 1, 128>}, {pipeline_mode = #tpu.pipeline_mode<synchronous>, transform_indices = @transform_4, window_bounds = array<i64: 128, 128>}, {pipeline_mode = #tpu.pipeline_mode<synchronous>, transform_indices = @transform_5, window_bounds = array<i64: 1, 128>}, {pipeline_mode = #tpu.pipeline_mode<synchronous>, transform_indices = @transform_6, window_bounds = array<i64: 128, 144>}, {pipeline_mode = #tpu.pipeline_mode<synchronous>, transform_indices = @transform_7, window_bounds = array<i64: 1, 144>}, {pipeline_mode = #tpu.pipeline_mode<synchronous>, transform_indices = @transform_8, window_bounds = array<i64: 1536, 24>}, {pipeline_mode = #tpu.pipeline_mode<synchronous>, transform_indices = @transform_9, window_bounds = array<i64: 144, 144>}, {pipeline_mode = #tpu.pipeline_mode<synchronous>, transform_indices = @transform_10, window_bounds = array<i64: 24, 768>}, {transform_indices = @transform_11, window_bounds = array<i64: 512, 6, 128>}, {transform_indices = @transform_12, window_bounds = array<i64: 512, 144>}]} {
    %get3A = arith.constant 0 : index
    %get3A_0 = arith.constant 0 : index
    %get3A_1 = vector.load %arg1[%get3A, %get3A_0] : memref<512x768xf32, #tpu.memory_space<vmem>>, vector<512x128xf32>
    %get3A_2 = arith.constant 0 : index
    %get3A_3 = arith.constant 128 : index
    %get3A_4 = vector.load %arg1[%get3A_2, %get3A_3] : memref<512x768xf32, #tpu.memory_space<vmem>>, vector<512x128xf32>
    %get3A_5 = arith.constant 0 : index
    %get3A_6 = arith.constant 256 : index
    %get3A_7 = vector.load %arg1[%get3A_5, %get3A_6] : memref<512x768xf32, #tpu.memory_space<vmem>>, vector<512x128xf32>
    %get3A_8 = arith.constant 0 : index
    %get3A_9 = arith.constant 384 : index
    %get3A_10 = vector.load %arg1[%get3A_8, %get3A_9] : memref<512x768xf32, #tpu.memory_space<vmem>>, vector<512x128xf32>
    %get3A_11 = arith.constant 0 : index
    %get3A_12 = arith.constant 512 : index
    %get3A_13 = vector.load %arg1[%get3A_11, %get3A_12] : memref<512x768xf32, #tpu.memory_space<vmem>>, vector<512x128xf32>
    %get3A_14 = arith.constant 0 : index
    %get3A_15 = arith.constant 640 : index
    %get3A_16 = vector.load %arg1[%get3A_14, %get3A_15] : memref<512x768xf32, #tpu.memory_space<vmem>>, vector<512x128xf32>
    %convert_element_type3A = arith.truncf %get3A_1 : vector<512x128xf32> to vector<512x128xbf16>
    %convert_element_type3A_17 = arith.truncf %get3A_4 : vector<512x128xf32> to vector<512x128xbf16>
    %convert_element_type3A_18 = arith.truncf %get3A_7 : vector<512x128xf32> to vector<512x128xbf16>
    %convert_element_type3A_19 = arith.truncf %get3A_10 : vector<512x128xf32> to vector<512x128xbf16>
    %convert_element_type3A_20 = arith.truncf %get3A_13 : vector<512x128xf32> to vector<512x128xbf16>
    %convert_element_type3A_21 = arith.truncf %get3A_16 : vector<512x128xf32> to vector<512x128xbf16>
    %get3A_22 = arith.constant 0 : index
    %get3A_23 = arith.constant 0 : index
    %get3A_24 = vector.load %arg3[%get3A_22, %get3A_23] : memref<128x128xbf16, #tpu.memory_space<vmem>>, vector<128x128xbf16>
    %get3A_25 = arith.constant 0 : index
    %get3A_26 = arith.constant 0 : index
    %get3A_27 = vector.load %arg5[%get3A_25, %get3A_26] : memref<128x128xbf16, #tpu.memory_space<vmem>>, vector<128x128xbf16>
    %get3A_28 = arith.constant 0 : index
    %get3A_29 = arith.constant 0 : index
    %get3A_30 = vector.load %arg4[%get3A_28, %get3A_29] : memref<1x128xf32, #tpu.memory_space<vmem>>, vector<1x128xf32>
    %get3A_31 = arith.constant 0 : index
    %get3A_32 = arith.constant 0 : index
    %get3A_33 = vector.load %arg6[%get3A_31, %get3A_32] : memref<1x128xf32, #tpu.memory_space<vmem>>, vector<1x128xf32>
    %dot_general3A = arith.constant dense<0.000000e+00> : vector<512x128xf32>
    %dot_general3A_34 = tpu.matmul %convert_element_type3A, %get3A_24, %dot_general3A {dimension_numbers = #tpu.dot_dimension_numbers<[1], [0], [0], [1], [0, 0, 1, 1], [], []>, transpose_lhs_hint = false} : vector<512x128xbf16>, vector<128x128xbf16>, vector<512x128xf32> -> vector<512x128xf32>
    %add3A = vector.broadcast %get3A_30 : vector<1x128xf32> to vector<512x128xf32>
    %add3A_35 = arith.addf %dot_general3A_34, %add3A : vector<512x128xf32>
    %dot_general3A_36 = arith.constant dense<0.000000e+00> : vector<512x128xf32>
    %dot_general3A_37 = tpu.matmul %convert_element_type3A_17, %get3A_24, %dot_general3A_36 {dimension_numbers = #tpu.dot_dimension_numbers<[1], [0], [0], [1], [0, 0, 1, 1], [], []>, transpose_lhs_hint = false} : vector<512x128xbf16>, vector<128x128xbf16>, vector<512x128xf32> -> vector<512x128xf32>
    %add3A_38 = vector.broadcast %get3A_30 : vector<1x128xf32> to vector<512x128xf32>
    %add3A_39 = arith.addf %dot_general3A_37, %add3A_38 : vector<512x128xf32>
    %dot_general3A_40 = arith.constant dense<0.000000e+00> : vector<512x128xf32>
    %dot_general3A_41 = tpu.matmul %convert_element_type3A_18, %get3A_24, %dot_general3A_40 {dimension_numbers = #tpu.dot_dimension_numbers<[1], [0], [0], [1], [0, 0, 1, 1], [], []>, transpose_lhs_hint = false} : vector<512x128xbf16>, vector<128x128xbf16>, vector<512x128xf32> -> vector<512x128xf32>
    %add3A_42 = vector.broadcast %get3A_30 : vector<1x128xf32> to vector<512x128xf32>
    %add3A_43 = arith.addf %dot_general3A_41, %add3A_42 : vector<512x128xf32>
    %dot_general3A_44 = arith.constant dense<0.000000e+00> : vector<512x128xf32>
    %dot_general3A_45 = tpu.matmul %convert_element_type3A_19, %get3A_24, %dot_general3A_44 {dimension_numbers = #tpu.dot_dimension_numbers<[1], [0], [0], [1], [0, 0, 1, 1], [], []>, transpose_lhs_hint = false} : vector<512x128xbf16>, vector<128x128xbf16>, vector<512x128xf32> -> vector<512x128xf32>
    %add3A_46 = vector.broadcast %get3A_30 : vector<1x128xf32> to vector<512x128xf32>
    %add3A_47 = arith.addf %dot_general3A_45, %add3A_46 : vector<512x128xf32>
    %dot_general3A_48 = arith.constant dense<0.000000e+00> : vector<512x128xf32>
    %dot_general3A_49 = tpu.matmul %convert_element_type3A_20, %get3A_24, %dot_general3A_48 {dimension_numbers = #tpu.dot_dimension_numbers<[1], [0], [0], [1], [0, 0, 1, 1], [], []>, transpose_lhs_hint = false} : vector<512x128xbf16>, vector<128x128xbf16>, vector<512x128xf32> -> vector<512x128xf32>
    %add3A_50 = vector.broadcast %get3A_30 : vector<1x128xf32> to vector<512x128xf32>
    %add3A_51 = arith.addf %dot_general3A_49, %add3A_50 : vector<512x128xf32>
    %dot_general3A_52 = arith.constant dense<0.000000e+00> : vector<512x128xf32>
    %dot_general3A_53 = tpu.matmul %convert_element_type3A_21, %get3A_24, %dot_general3A_52 {dimension_numbers = #tpu.dot_dimension_numbers<[1], [0], [0], [1], [0, 0, 1, 1], [], []>, transpose_lhs_hint = false} : vector<512x128xbf16>, vector<128x128xbf16>, vector<512x128xf32> -> vector<512x128xf32>
    %add3A_54 = vector.broadcast %get3A_30 : vector<1x128xf32> to vector<512x128xf32>
    %add3A_55 = arith.addf %dot_general3A_53, %add3A_54 : vector<512x128xf32>
    %dot_general3A_56 = arith.constant dense<0.000000e+00> : vector<512x128xf32>
    %dot_general3A_57 = tpu.matmul %convert_element_type3A, %get3A_27, %dot_general3A_56 {dimension_numbers = #tpu.dot_dimension_numbers<[1], [0], [0], [1], [0, 0, 1, 1], [], []>, transpose_lhs_hint = false} : vector<512x128xbf16>, vector<128x128xbf16>, vector<512x128xf32> -> vector<512x128xf32>
    %add3A_58 = vector.broadcast %get3A_33 : vector<1x128xf32> to vector<512x128xf32>
    %add3A_59 = arith.addf %dot_general3A_57, %add3A_58 : vector<512x128xf32>
    %dot_general3A_60 = arith.constant dense<0.000000e+00> : vector<512x128xf32>
    %dot_general3A_61 = tpu.matmul %convert_element_type3A_17, %get3A_27, %dot_general3A_60 {dimension_numbers = #tpu.dot_dimension_numbers<[1], [0], [0], [1], [0, 0, 1, 1], [], []>, transpose_lhs_hint = false} : vector<512x128xbf16>, vector<128x128xbf16>, vector<512x128xf32> -> vector<512x128xf32>
    %add3A_62 = vector.broadcast %get3A_33 : vector<1x128xf32> to vector<512x128xf32>
    %add3A_63 = arith.addf %dot_general3A_61, %add3A_62 : vector<512x128xf32>
    %dot_general3A_64 = arith.constant dense<0.000000e+00> : vector<512x128xf32>
    %dot_general3A_65 = tpu.matmul %convert_element_type3A_18, %get3A_27, %dot_general3A_64 {dimension_numbers = #tpu.dot_dimension_numbers<[1], [0], [0], [1], [0, 0, 1, 1], [], []>, transpose_lhs_hint = false} : vector<512x128xbf16>, vector<128x128xbf16>, vector<512x128xf32> -> vector<512x128xf32>
    %add3A_66 = vector.broadcast %get3A_33 : vector<1x128xf32> to vector<512x128xf32>
    %add3A_67 = arith.addf %dot_general3A_65, %add3A_66 : vector<512x128xf32>
    %dot_general3A_68 = arith.constant dense<0.000000e+00> : vector<512x128xf32>
    %dot_general3A_69 = tpu.matmul %convert_element_type3A_19, %get3A_27, %dot_general3A_68 {dimension_numbers = #tpu.dot_dimension_numbers<[1], [0], [0], [1], [0, 0, 1, 1], [], []>, transpose_lhs_hint = false} : vector<512x128xbf16>, vector<128x128xbf16>, vector<512x128xf32> -> vector<512x128xf32>
    %add3A_70 = vector.broadcast %get3A_33 : vector<1x128xf32> to vector<512x128xf32>
    %add3A_71 = arith.addf %dot_general3A_69, %add3A_70 : vector<512x128xf32>
    %dot_general3A_72 = arith.constant dense<0.000000e+00> : vector<512x128xf32>
    %dot_general3A_73 = tpu.matmul %convert_element_type3A_20, %get3A_27, %dot_general3A_72 {dimension_numbers = #tpu.dot_dimension_numbers<[1], [0], [0], [1], [0, 0, 1, 1], [], []>, transpose_lhs_hint = false} : vector<512x128xbf16>, vector<128x128xbf16>, vector<512x128xf32> -> vector<512x128xf32>
    %add3A_74 = vector.broadcast %get3A_33 : vector<1x128xf32> to vector<512x128xf32>
    %add3A_75 = arith.addf %dot_general3A_73, %add3A_74 : vector<512x128xf32>
    %dot_general3A_76 = arith.constant dense<0.000000e+00> : vector<512x128xf32>
    %dot_general3A_77 = tpu.matmul %convert_element_type3A_21, %get3A_27, %dot_general3A_76 {dimension_numbers = #tpu.dot_dimension_numbers<[1], [0], [0], [1], [0, 0, 1, 1], [], []>, transpose_lhs_hint = false} : vector<512x128xbf16>, vector<128x128xbf16>, vector<512x128xf32> -> vector<512x128xf32>
    %add3A_78 = vector.broadcast %get3A_33 : vector<1x128xf32> to vector<512x128xf32>
    %add3A_79 = arith.addf %dot_general3A_77, %add3A_78 : vector<512x128xf32>
    %convert_element_type3A_80 = arith.truncf %add3A_35 : vector<512x128xf32> to vector<512x128xbf16>
    %convert_element_type3A_81 = arith.extf %convert_element_type3A_80 : vector<512x128xbf16> to vector<512x128xf32>
    %convert_element_type3A_82 = arith.truncf %add3A_39 : vector<512x128xf32> to vector<512x128xbf16>
    %convert_element_type3A_83 = arith.extf %convert_element_type3A_82 : vector<512x128xbf16> to vector<512x128xf32>
    %convert_element_type3A_84 = arith.truncf %add3A_43 : vector<512x128xf32> to vector<512x128xbf16>
    %convert_element_type3A_85 = arith.extf %convert_element_type3A_84 : vector<512x128xbf16> to vector<512x128xf32>
    %convert_element_type3A_86 = arith.truncf %add3A_47 : vector<512x128xf32> to vector<512x128xbf16>
    %convert_element_type3A_87 = arith.extf %convert_element_type3A_86 : vector<512x128xbf16> to vector<512x128xf32>
    %convert_element_type3A_88 = arith.truncf %add3A_51 : vector<512x128xf32> to vector<512x128xbf16>
    %convert_element_type3A_89 = arith.extf %convert_element_type3A_88 : vector<512x128xbf16> to vector<512x128xf32>
    %convert_element_type3A_90 = arith.truncf %add3A_55 : vector<512x128xf32> to vector<512x128xbf16>
    %convert_element_type3A_91 = arith.extf %convert_element_type3A_90 : vector<512x128xbf16> to vector<512x128xf32>
    %convert_element_type3A_92 = arith.truncf %add3A_59 : vector<512x128xf32> to vector<512x128xbf16>
    %convert_element_type3A_93 = arith.extf %convert_element_type3A_92 : vector<512x128xbf16> to vector<512x128xf32>
    %convert_element_type3A_94 = arith.truncf %add3A_63 : vector<512x128xf32> to vector<512x128xbf16>
    %convert_element_type3A_95 = arith.extf %convert_element_type3A_94 : vector<512x128xbf16> to vector<512x128xf32>
    %convert_element_type3A_96 = arith.truncf %add3A_67 : vector<512x128xf32> to vector<512x128xbf16>
    %convert_element_type3A_97 = arith.extf %convert_element_type3A_96 : vector<512x128xbf16> to vector<512x128xf32>
    %convert_element_type3A_98 = arith.truncf %add3A_71 : vector<512x128xf32> to vector<512x128xbf16>
    %convert_element_type3A_99 = arith.extf %convert_element_type3A_98 : vector<512x128xbf16> to vector<512x128xf32>
    %convert_element_type3A_100 = arith.truncf %add3A_75 : vector<512x128xf32> to vector<512x128xbf16>
    %convert_element_type3A_101 = arith.extf %convert_element_type3A_100 : vector<512x128xbf16> to vector<512x128xf32>
    %convert_element_type3A_102 = arith.truncf %add3A_79 : vector<512x128xf32> to vector<512x128xbf16>
    %convert_element_type3A_103 = arith.extf %convert_element_type3A_102 : vector<512x128xbf16> to vector<512x128xf32>
    %get3A_104 = arith.constant 0 : index
    %get3A_105 = arith.constant 0 : index
    %get3A_106 = vector.load %arg2[%get3A_104, %get3A_105] : memref<512x128xf32, #tpu.memory_space<vmem>>, vector<512x128xf32>
    %convert_element_type3A_107 = arith.truncf %get3A_106 : vector<512x128xf32> to vector<512x128xbf16>
    %get3A_108 = arith.constant 0 : index
    %get3A_109 = arith.constant 0 : index
    %get3A_110 = vector.load %arg7[%get3A_108, %get3A_109] : memref<128x144xbf16, #tpu.memory_space<vmem>>, vector<128x144xbf16>
    %dot_general3A_111 = arith.constant dense<0.000000e+00> : vector<512x144xf32>
    %dot_general3A_112 = tpu.matmul %convert_element_type3A_107, %get3A_110, %dot_general3A_111 {dimension_numbers = #tpu.dot_dimension_numbers<[1], [0], [0], [1], [0, 0, 1, 1], [], []>, transpose_lhs_hint = false} : vector<512x128xbf16>, vector<128x144xbf16>, vector<512x144xf32> -> vector<512x144xf32>
    %get3A_113 = arith.constant 0 : index
    %get3A_114 = arith.constant 0 : index
    %get3A_115 = vector.load %arg8[%get3A_113, %get3A_114] : memref<1x144xf32, #tpu.memory_space<vmem>>, vector<1x144xf32>
    %add3A_116 = vector.broadcast %get3A_115 : vector<1x144xf32> to vector<512x144xf32>
    %add3A_117 = arith.addf %dot_general3A_112, %add3A_116 : vector<512x144xf32>
    %get3A_118 = arith.constant 0 : index
    %get3A_119 = arith.constant 0 : index
    %get3A_120 = vector.load %arg9[%get3A_118, %get3A_119] : memref<1536x24xf32, #tpu.memory_space<vmem>>, vector<1536x24xf32>
    %mul3A = arith.mulf %convert_element_type3A_93, %convert_element_type3A_81 : vector<512x128xf32>
    %mul3A_121 = arith.mulf %convert_element_type3A_95, %convert_element_type3A_81 : vector<512x128xf32>
    %mul3A_122 = arith.mulf %convert_element_type3A_97, %convert_element_type3A_81 : vector<512x128xf32>
    %mul3A_123 = arith.mulf %convert_element_type3A_99, %convert_element_type3A_81 : vector<512x128xf32>
    %mul3A_124 = arith.mulf %convert_element_type3A_101, %convert_element_type3A_81 : vector<512x128xf32>
    %mul3A_125 = arith.mulf %convert_element_type3A_103, %convert_element_type3A_81 : vector<512x128xf32>
    %concatenate3A = tpu.concatenate %mul3A, %mul3A_121, %mul3A_122, %mul3A_123, %mul3A_124, %mul3A_125 in 1 : vector<512x128xf32>, vector<512x128xf32>, vector<512x128xf32>, vector<512x128xf32>, vector<512x128xf32>, vector<512x128xf32> -> vector<512x768xf32>
    %convert_element_type3A_126 = arith.truncf %concatenate3A : vector<512x768xf32> to vector<512x768xbf16>
    %convert_element_type3A_127 = arith.extf %convert_element_type3A_126 : vector<512x768xbf16> to vector<512x768xf32>
    %sub3A = arith.subf %concatenate3A, %convert_element_type3A_127 : vector<512x768xf32>
    %convert_element_type3A_128 = arith.truncf %sub3A : vector<512x768xf32> to vector<512x768xbf16>
    %concatenate3A_129 = tpu.concatenate %convert_element_type3A_126, %convert_element_type3A_128 in 1 : vector<512x768xbf16>, vector<512x768xbf16> -> vector<512x1536xbf16>
    %dot_general3A_130 = arith.constant dense<0.000000e+00> : vector<512x24xf32>
    %dot_general3A_131 = tpu.matmul %concatenate3A_129, %get3A_120, %dot_general3A_130 {dimension_numbers = #tpu.dot_dimension_numbers<[1], [0], [0], [1], [0, 0, 1, 1], [], []>, transpose_lhs_hint = false} : vector<512x1536xbf16>, vector<1536x24xf32>, vector<512x24xf32> -> vector<512x24xf32>
    %mul3A_132 = arith.constant 0.176776692 : f32
    %mul3A_133 = vector.broadcast %mul3A_132 : f32 to vector<512x24xf32>
    %mul3A_134 = arith.mulf %dot_general3A_131, %mul3A_133 : vector<512x24xf32>
    %slice3A = vector.extract_strided_slice %add3A_117 {offsets = [0, 0], sizes = [512, 24], strides = [1, 1]} : vector<512x144xf32> to vector<512x24xf32>
    %mul3A_135 = arith.mulf %mul3A_134, %slice3A : vector<512x24xf32>
    %mul3A_136 = arith.mulf %convert_element_type3A_93, %convert_element_type3A_83 : vector<512x128xf32>
    %mul3A_137 = arith.mulf %convert_element_type3A_95, %convert_element_type3A_83 : vector<512x128xf32>
    %mul3A_138 = arith.mulf %convert_element_type3A_97, %convert_element_type3A_83 : vector<512x128xf32>
    %mul3A_139 = arith.mulf %convert_element_type3A_99, %convert_element_type3A_83 : vector<512x128xf32>
    %mul3A_140 = arith.mulf %convert_element_type3A_101, %convert_element_type3A_83 : vector<512x128xf32>
    %mul3A_141 = arith.mulf %convert_element_type3A_103, %convert_element_type3A_83 : vector<512x128xf32>
    %concatenate3A_142 = tpu.concatenate %mul3A_136, %mul3A_137, %mul3A_138, %mul3A_139, %mul3A_140, %mul3A_141 in 1 : vector<512x128xf32>, vector<512x128xf32>, vector<512x128xf32>, vector<512x128xf32>, vector<512x128xf32>, vector<512x128xf32> -> vector<512x768xf32>
    %convert_element_type3A_143 = arith.truncf %concatenate3A_142 : vector<512x768xf32> to vector<512x768xbf16>
    %convert_element_type3A_144 = arith.extf %convert_element_type3A_143 : vector<512x768xbf16> to vector<512x768xf32>
    %sub3A_145 = arith.subf %concatenate3A_142, %convert_element_type3A_144 : vector<512x768xf32>
    %convert_element_type3A_146 = arith.truncf %sub3A_145 : vector<512x768xf32> to vector<512x768xbf16>
    %concatenate3A_147 = tpu.concatenate %convert_element_type3A_143, %convert_element_type3A_146 in 1 : vector<512x768xbf16>, vector<512x768xbf16> -> vector<512x1536xbf16>
    %dot_general3A_148 = arith.constant dense<0.000000e+00> : vector<512x24xf32>
    %dot_general3A_149 = tpu.matmul %concatenate3A_147, %get3A_120, %dot_general3A_148 {dimension_numbers = #tpu.dot_dimension_numbers<[1], [0], [0], [1], [0, 0, 1, 1], [], []>, transpose_lhs_hint = false} : vector<512x1536xbf16>, vector<1536x24xf32>, vector<512x24xf32> -> vector<512x24xf32>
    %mul3A_150 = arith.constant 0.176776692 : f32
    %mul3A_151 = vector.broadcast %mul3A_150 : f32 to vector<512x24xf32>
    %mul3A_152 = arith.mulf %dot_general3A_149, %mul3A_151 : vector<512x24xf32>
    %slice3A_153 = vector.extract_strided_slice %add3A_117 {offsets = [0, 24], sizes = [512, 24], strides = [1, 1]} : vector<512x144xf32> to vector<512x24xf32>
    %mul3A_154 = arith.mulf %mul3A_152, %slice3A_153 : vector<512x24xf32>
    %mul3A_155 = arith.mulf %convert_element_type3A_93, %convert_element_type3A_85 : vector<512x128xf32>
    %mul3A_156 = arith.mulf %convert_element_type3A_95, %convert_element_type3A_85 : vector<512x128xf32>
    %mul3A_157 = arith.mulf %convert_element_type3A_97, %convert_element_type3A_85 : vector<512x128xf32>
    %mul3A_158 = arith.mulf %convert_element_type3A_99, %convert_element_type3A_85 : vector<512x128xf32>
    %mul3A_159 = arith.mulf %convert_element_type3A_101, %convert_element_type3A_85 : vector<512x128xf32>
    %mul3A_160 = arith.mulf %convert_element_type3A_103, %convert_element_type3A_85 : vector<512x128xf32>
    %concatenate3A_161 = tpu.concatenate %mul3A_155, %mul3A_156, %mul3A_157, %mul3A_158, %mul3A_159, %mul3A_160 in 1 : vector<512x128xf32>, vector<512x128xf32>, vector<512x128xf32>, vector<512x128xf32>, vector<512x128xf32>, vector<512x128xf32> -> vector<512x768xf32>
    %convert_element_type3A_162 = arith.truncf %concatenate3A_161 : vector<512x768xf32> to vector<512x768xbf16>
    %convert_element_type3A_163 = arith.extf %convert_element_type3A_162 : vector<512x768xbf16> to vector<512x768xf32>
    %sub3A_164 = arith.subf %concatenate3A_161, %convert_element_type3A_163 : vector<512x768xf32>
    %convert_element_type3A_165 = arith.truncf %sub3A_164 : vector<512x768xf32> to vector<512x768xbf16>
    %concatenate3A_166 = tpu.concatenate %convert_element_type3A_162, %convert_element_type3A_165 in 1 : vector<512x768xbf16>, vector<512x768xbf16> -> vector<512x1536xbf16>
    %dot_general3A_167 = arith.constant dense<0.000000e+00> : vector<512x24xf32>
    %dot_general3A_168 = tpu.matmul %concatenate3A_166, %get3A_120, %dot_general3A_167 {dimension_numbers = #tpu.dot_dimension_numbers<[1], [0], [0], [1], [0, 0, 1, 1], [], []>, transpose_lhs_hint = false} : vector<512x1536xbf16>, vector<1536x24xf32>, vector<512x24xf32> -> vector<512x24xf32>
    %mul3A_169 = arith.constant 0.176776692 : f32
    %mul3A_170 = vector.broadcast %mul3A_169 : f32 to vector<512x24xf32>
    %mul3A_171 = arith.mulf %dot_general3A_168, %mul3A_170 : vector<512x24xf32>
    %slice3A_172 = vector.extract_strided_slice %add3A_117 {offsets = [0, 48], sizes = [512, 24], strides = [1, 1]} : vector<512x144xf32> to vector<512x24xf32>
    %mul3A_173 = arith.mulf %mul3A_171, %slice3A_172 : vector<512x24xf32>
    %mul3A_174 = arith.mulf %convert_element_type3A_93, %convert_element_type3A_87 : vector<512x128xf32>
    %mul3A_175 = arith.mulf %convert_element_type3A_95, %convert_element_type3A_87 : vector<512x128xf32>
    %mul3A_176 = arith.mulf %convert_element_type3A_97, %convert_element_type3A_87 : vector<512x128xf32>
    %mul3A_177 = arith.mulf %convert_element_type3A_99, %convert_element_type3A_87 : vector<512x128xf32>
    %mul3A_178 = arith.mulf %convert_element_type3A_101, %convert_element_type3A_87 : vector<512x128xf32>
    %mul3A_179 = arith.mulf %convert_element_type3A_103, %convert_element_type3A_87 : vector<512x128xf32>
    %concatenate3A_180 = tpu.concatenate %mul3A_174, %mul3A_175, %mul3A_176, %mul3A_177, %mul3A_178, %mul3A_179 in 1 : vector<512x128xf32>, vector<512x128xf32>, vector<512x128xf32>, vector<512x128xf32>, vector<512x128xf32>, vector<512x128xf32> -> vector<512x768xf32>
    %convert_element_type3A_181 = arith.truncf %concatenate3A_180 : vector<512x768xf32> to vector<512x768xbf16>
    %convert_element_type3A_182 = arith.extf %convert_element_type3A_181 : vector<512x768xbf16> to vector<512x768xf32>
    %sub3A_183 = arith.subf %concatenate3A_180, %convert_element_type3A_182 : vector<512x768xf32>
    %convert_element_type3A_184 = arith.truncf %sub3A_183 : vector<512x768xf32> to vector<512x768xbf16>
    %concatenate3A_185 = tpu.concatenate %convert_element_type3A_181, %convert_element_type3A_184 in 1 : vector<512x768xbf16>, vector<512x768xbf16> -> vector<512x1536xbf16>
    %dot_general3A_186 = arith.constant dense<0.000000e+00> : vector<512x24xf32>
    %dot_general3A_187 = tpu.matmul %concatenate3A_185, %get3A_120, %dot_general3A_186 {dimension_numbers = #tpu.dot_dimension_numbers<[1], [0], [0], [1], [0, 0, 1, 1], [], []>, transpose_lhs_hint = false} : vector<512x1536xbf16>, vector<1536x24xf32>, vector<512x24xf32> -> vector<512x24xf32>
    %mul3A_188 = arith.constant 0.176776692 : f32
    %mul3A_189 = vector.broadcast %mul3A_188 : f32 to vector<512x24xf32>
    %mul3A_190 = arith.mulf %dot_general3A_187, %mul3A_189 : vector<512x24xf32>
    %slice3A_191 = vector.extract_strided_slice %add3A_117 {offsets = [0, 72], sizes = [512, 24], strides = [1, 1]} : vector<512x144xf32> to vector<512x24xf32>
    %mul3A_192 = arith.mulf %mul3A_190, %slice3A_191 : vector<512x24xf32>
    %mul3A_193 = arith.mulf %convert_element_type3A_93, %convert_element_type3A_89 : vector<512x128xf32>
    %mul3A_194 = arith.mulf %convert_element_type3A_95, %convert_element_type3A_89 : vector<512x128xf32>
    %mul3A_195 = arith.mulf %convert_element_type3A_97, %convert_element_type3A_89 : vector<512x128xf32>
    %mul3A_196 = arith.mulf %convert_element_type3A_99, %convert_element_type3A_89 : vector<512x128xf32>
    %mul3A_197 = arith.mulf %convert_element_type3A_101, %convert_element_type3A_89 : vector<512x128xf32>
    %mul3A_198 = arith.mulf %convert_element_type3A_103, %convert_element_type3A_89 : vector<512x128xf32>
    %concatenate3A_199 = tpu.concatenate %mul3A_193, %mul3A_194, %mul3A_195, %mul3A_196, %mul3A_197, %mul3A_198 in 1 : vector<512x128xf32>, vector<512x128xf32>, vector<512x128xf32>, vector<512x128xf32>, vector<512x128xf32>, vector<512x128xf32> -> vector<512x768xf32>
    %convert_element_type3A_200 = arith.truncf %concatenate3A_199 : vector<512x768xf32> to vector<512x768xbf16>
    %convert_element_type3A_201 = arith.extf %convert_element_type3A_200 : vector<512x768xbf16> to vector<512x768xf32>
    %sub3A_202 = arith.subf %concatenate3A_199, %convert_element_type3A_201 : vector<512x768xf32>
    %convert_element_type3A_203 = arith.truncf %sub3A_202 : vector<512x768xf32> to vector<512x768xbf16>
    %concatenate3A_204 = tpu.concatenate %convert_element_type3A_200, %convert_element_type3A_203 in 1 : vector<512x768xbf16>, vector<512x768xbf16> -> vector<512x1536xbf16>
    %dot_general3A_205 = arith.constant dense<0.000000e+00> : vector<512x24xf32>
    %dot_general3A_206 = tpu.matmul %concatenate3A_204, %get3A_120, %dot_general3A_205 {dimension_numbers = #tpu.dot_dimension_numbers<[1], [0], [0], [1], [0, 0, 1, 1], [], []>, transpose_lhs_hint = false} : vector<512x1536xbf16>, vector<1536x24xf32>, vector<512x24xf32> -> vector<512x24xf32>
    %mul3A_207 = arith.constant 0.176776692 : f32
    %mul3A_208 = vector.broadcast %mul3A_207 : f32 to vector<512x24xf32>
    %mul3A_209 = arith.mulf %dot_general3A_206, %mul3A_208 : vector<512x24xf32>
    %slice3A_210 = vector.extract_strided_slice %add3A_117 {offsets = [0, 96], sizes = [512, 24], strides = [1, 1]} : vector<512x144xf32> to vector<512x24xf32>
    %mul3A_211 = arith.mulf %mul3A_209, %slice3A_210 : vector<512x24xf32>
    %mul3A_212 = arith.mulf %convert_element_type3A_93, %convert_element_type3A_91 : vector<512x128xf32>
    %mul3A_213 = arith.mulf %convert_element_type3A_95, %convert_element_type3A_91 : vector<512x128xf32>
    %mul3A_214 = arith.mulf %convert_element_type3A_97, %convert_element_type3A_91 : vector<512x128xf32>
    %mul3A_215 = arith.mulf %convert_element_type3A_99, %convert_element_type3A_91 : vector<512x128xf32>
    %mul3A_216 = arith.mulf %convert_element_type3A_101, %convert_element_type3A_91 : vector<512x128xf32>
    %mul3A_217 = arith.mulf %convert_element_type3A_103, %convert_element_type3A_91 : vector<512x128xf32>
    %concatenate3A_218 = tpu.concatenate %mul3A_212, %mul3A_213, %mul3A_214, %mul3A_215, %mul3A_216, %mul3A_217 in 1 : vector<512x128xf32>, vector<512x128xf32>, vector<512x128xf32>, vector<512x128xf32>, vector<512x128xf32>, vector<512x128xf32> -> vector<512x768xf32>
    %convert_element_type3A_219 = arith.truncf %concatenate3A_218 : vector<512x768xf32> to vector<512x768xbf16>
    %convert_element_type3A_220 = arith.extf %convert_element_type3A_219 : vector<512x768xbf16> to vector<512x768xf32>
    %sub3A_221 = arith.subf %concatenate3A_218, %convert_element_type3A_220 : vector<512x768xf32>
    %convert_element_type3A_222 = arith.truncf %sub3A_221 : vector<512x768xf32> to vector<512x768xbf16>
    %concatenate3A_223 = tpu.concatenate %convert_element_type3A_219, %convert_element_type3A_222 in 1 : vector<512x768xbf16>, vector<512x768xbf16> -> vector<512x1536xbf16>
    %dot_general3A_224 = arith.constant dense<0.000000e+00> : vector<512x24xf32>
    %dot_general3A_225 = tpu.matmul %concatenate3A_223, %get3A_120, %dot_general3A_224 {dimension_numbers = #tpu.dot_dimension_numbers<[1], [0], [0], [1], [0, 0, 1, 1], [], []>, transpose_lhs_hint = false} : vector<512x1536xbf16>, vector<1536x24xf32>, vector<512x24xf32> -> vector<512x24xf32>
    %mul3A_226 = arith.constant 0.176776692 : f32
    %mul3A_227 = vector.broadcast %mul3A_226 : f32 to vector<512x24xf32>
    %mul3A_228 = arith.mulf %dot_general3A_225, %mul3A_227 : vector<512x24xf32>
    %slice3A_229 = vector.extract_strided_slice %add3A_117 {offsets = [0, 120], sizes = [512, 24], strides = [1, 1]} : vector<512x144xf32> to vector<512x24xf32>
    %mul3A_230 = arith.mulf %mul3A_228, %slice3A_229 : vector<512x24xf32>
    %abs3A = math.absf %mul3A_135 : vector<512x24xf32>
    %abs3A_231 = math.absf %mul3A_154 : vector<512x24xf32>
    %abs3A_232 = math.absf %mul3A_173 : vector<512x24xf32>
    %abs3A_233 = math.absf %mul3A_192 : vector<512x24xf32>
    %abs3A_234 = math.absf %mul3A_211 : vector<512x24xf32>
    %abs3A_235 = math.absf %mul3A_230 : vector<512x24xf32>
    %broadcast_in_dim3A = arith.constant 5.000000e+00 : f32
    %broadcast_in_dim3A_236 = vector.broadcast %broadcast_in_dim3A : f32 to vector<512x24xf32>
    %broadcast_in_dim3A_237 = arith.constant 4.000000e+00 : f32
    %broadcast_in_dim3A_238 = vector.broadcast %broadcast_in_dim3A_237 : f32 to vector<512x24xf32>
    %broadcast_in_dim3A_239 = arith.constant 3.000000e+00 : f32
    %broadcast_in_dim3A_240 = vector.broadcast %broadcast_in_dim3A_239 : f32 to vector<512x24xf32>
    %broadcast_in_dim3A_241 = arith.constant 2.000000e+00 : f32
    %broadcast_in_dim3A_242 = vector.broadcast %broadcast_in_dim3A_241 : f32 to vector<512x24xf32>
    %broadcast_in_dim3A_243 = arith.constant 1.000000e+00 : f32
    %broadcast_in_dim3A_244 = vector.broadcast %broadcast_in_dim3A_243 : f32 to vector<512x24xf32>
    %broadcast_in_dim3A_245 = arith.constant 0.000000e+00 : f32
    %broadcast_in_dim3A_246 = vector.broadcast %broadcast_in_dim3A_245 : f32 to vector<512x24xf32>
    %ge3A = arith.cmpf oge, %abs3A, %abs3A_231 : vector<512x24xf32>
    %convert_element_type3A_247 = arith.extui %ge3A : vector<512x24xi1> to vector<512x24xi32>
    %convert_element_type3A_248 = arith.sitofp %convert_element_type3A_247 : vector<512x24xi32> to vector<512x24xf32>
    %add3A_249 = arith.addf %broadcast_in_dim3A_238, %convert_element_type3A_248 : vector<512x24xf32>
    %sub3A_250 = arith.subf %broadcast_in_dim3A_236, %convert_element_type3A_248 : vector<512x24xf32>
    %ge3A_251 = arith.cmpf oge, %abs3A, %abs3A_232 : vector<512x24xf32>
    %convert_element_type3A_252 = arith.extui %ge3A_251 : vector<512x24xi1> to vector<512x24xi32>
    %convert_element_type3A_253 = arith.sitofp %convert_element_type3A_252 : vector<512x24xi32> to vector<512x24xf32>
    %add3A_254 = arith.addf %broadcast_in_dim3A_240, %convert_element_type3A_253 : vector<512x24xf32>
    %sub3A_255 = arith.subf %sub3A_250, %convert_element_type3A_253 : vector<512x24xf32>
    %ge3A_256 = arith.cmpf oge, %abs3A, %abs3A_233 : vector<512x24xf32>
    %convert_element_type3A_257 = arith.extui %ge3A_256 : vector<512x24xi1> to vector<512x24xi32>
    %convert_element_type3A_258 = arith.sitofp %convert_element_type3A_257 : vector<512x24xi32> to vector<512x24xf32>
    %add3A_259 = arith.addf %broadcast_in_dim3A_242, %convert_element_type3A_258 : vector<512x24xf32>
    %sub3A_260 = arith.subf %sub3A_255, %convert_element_type3A_258 : vector<512x24xf32>
    %ge3A_261 = arith.cmpf oge, %abs3A, %abs3A_234 : vector<512x24xf32>
    %convert_element_type3A_262 = arith.extui %ge3A_261 : vector<512x24xi1> to vector<512x24xi32>
    %convert_element_type3A_263 = arith.sitofp %convert_element_type3A_262 : vector<512x24xi32> to vector<512x24xf32>
    %add3A_264 = arith.addf %broadcast_in_dim3A_244, %convert_element_type3A_263 : vector<512x24xf32>
    %sub3A_265 = arith.subf %sub3A_260, %convert_element_type3A_263 : vector<512x24xf32>
    %ge3A_266 = arith.cmpf oge, %abs3A, %abs3A_235 : vector<512x24xf32>
    %convert_element_type3A_267 = arith.extui %ge3A_266 : vector<512x24xi1> to vector<512x24xi32>
    %convert_element_type3A_268 = arith.sitofp %convert_element_type3A_267 : vector<512x24xi32> to vector<512x24xf32>
    %add3A_269 = arith.addf %broadcast_in_dim3A_246, %convert_element_type3A_268 : vector<512x24xf32>
    %sub3A_270 = arith.subf %sub3A_265, %convert_element_type3A_268 : vector<512x24xf32>
    %ge3A_271 = arith.cmpf oge, %abs3A_231, %abs3A_232 : vector<512x24xf32>
    %convert_element_type3A_272 = arith.extui %ge3A_271 : vector<512x24xi1> to vector<512x24xi32>
    %convert_element_type3A_273 = arith.sitofp %convert_element_type3A_272 : vector<512x24xi32> to vector<512x24xf32>
    %add3A_274 = arith.addf %add3A_254, %convert_element_type3A_273 : vector<512x24xf32>
    %sub3A_275 = arith.subf %add3A_249, %convert_element_type3A_273 : vector<512x24xf32>
    %ge3A_276 = arith.cmpf oge, %abs3A_231, %abs3A_233 : vector<512x24xf32>
    %convert_element_type3A_277 = arith.extui %ge3A_276 : vector<512x24xi1> to vector<512x24xi32>
    %convert_element_type3A_278 = arith.sitofp %convert_element_type3A_277 : vector<512x24xi32> to vector<512x24xf32>
    %add3A_279 = arith.addf %add3A_259, %convert_element_type3A_278 : vector<512x24xf32>
    %sub3A_280 = arith.subf %sub3A_275, %convert_element_type3A_278 : vector<512x24xf32>
    %ge3A_281 = arith.cmpf oge, %abs3A_231, %abs3A_234 : vector<512x24xf32>
    %convert_element_type3A_282 = arith.extui %ge3A_281 : vector<512x24xi1> to vector<512x24xi32>
    %convert_element_type3A_283 = arith.sitofp %convert_element_type3A_282 : vector<512x24xi32> to vector<512x24xf32>
    %add3A_284 = arith.addf %add3A_264, %convert_element_type3A_283 : vector<512x24xf32>
    %sub3A_285 = arith.subf %sub3A_280, %convert_element_type3A_283 : vector<512x24xf32>
    %ge3A_286 = arith.cmpf oge, %abs3A_231, %abs3A_235 : vector<512x24xf32>
    %convert_element_type3A_287 = arith.extui %ge3A_286 : vector<512x24xi1> to vector<512x24xi32>
    %convert_element_type3A_288 = arith.sitofp %convert_element_type3A_287 : vector<512x24xi32> to vector<512x24xf32>
    %add3A_289 = arith.addf %add3A_269, %convert_element_type3A_288 : vector<512x24xf32>
    %sub3A_290 = arith.subf %sub3A_285, %convert_element_type3A_288 : vector<512x24xf32>
    %ge3A_291 = arith.cmpf oge, %abs3A_232, %abs3A_233 : vector<512x24xf32>
    %convert_element_type3A_292 = arith.extui %ge3A_291 : vector<512x24xi1> to vector<512x24xi32>
    %convert_element_type3A_293 = arith.sitofp %convert_element_type3A_292 : vector<512x24xi32> to vector<512x24xf32>
    %add3A_294 = arith.addf %add3A_279, %convert_element_type3A_293 : vector<512x24xf32>
    %sub3A_295 = arith.subf %add3A_274, %convert_element_type3A_293 : vector<512x24xf32>
    %ge3A_296 = arith.cmpf oge, %abs3A_232, %abs3A_234 : vector<512x24xf32>
    %convert_element_type3A_297 = arith.extui %ge3A_296 : vector<512x24xi1> to vector<512x24xi32>
    %convert_element_type3A_298 = arith.sitofp %convert_element_type3A_297 : vector<512x24xi32> to vector<512x24xf32>
    %add3A_299 = arith.addf %add3A_284, %convert_element_type3A_298 : vector<512x24xf32>
    %sub3A_300 = arith.subf %sub3A_295, %convert_element_type3A_298 : vector<512x24xf32>
    %ge3A_301 = arith.cmpf oge, %abs3A_232, %abs3A_235 : vector<512x24xf32>
    %convert_element_type3A_302 = arith.extui %ge3A_301 : vector<512x24xi1> to vector<512x24xi32>
    %convert_element_type3A_303 = arith.sitofp %convert_element_type3A_302 : vector<512x24xi32> to vector<512x24xf32>
    %add3A_304 = arith.addf %add3A_289, %convert_element_type3A_303 : vector<512x24xf32>
    %sub3A_305 = arith.subf %sub3A_300, %convert_element_type3A_303 : vector<512x24xf32>
    %ge3A_306 = arith.cmpf oge, %abs3A_233, %abs3A_234 : vector<512x24xf32>
    %convert_element_type3A_307 = arith.extui %ge3A_306 : vector<512x24xi1> to vector<512x24xi32>
    %convert_element_type3A_308 = arith.sitofp %convert_element_type3A_307 : vector<512x24xi32> to vector<512x24xf32>
    %add3A_309 = arith.addf %add3A_299, %convert_element_type3A_308 : vector<512x24xf32>
    %sub3A_310 = arith.subf %add3A_294, %convert_element_type3A_308 : vector<512x24xf32>
    %ge3A_311 = arith.cmpf oge, %abs3A_233, %abs3A_235 : vector<512x24xf32>
    %convert_element_type3A_312 = arith.extui %ge3A_311 : vector<512x24xi1> to vector<512x24xi32>
    %convert_element_type3A_313 = arith.sitofp %convert_element_type3A_312 : vector<512x24xi32> to vector<512x24xf32>
    %add3A_314 = arith.addf %add3A_304, %convert_element_type3A_313 : vector<512x24xf32>
    %sub3A_315 = arith.subf %sub3A_310, %convert_element_type3A_313 : vector<512x24xf32>
    %ge3A_316 = arith.cmpf oge, %abs3A_234, %abs3A_235 : vector<512x24xf32>
    %convert_element_type3A_317 = arith.extui %ge3A_316 : vector<512x24xi1> to vector<512x24xi32>
    %convert_element_type3A_318 = arith.sitofp %convert_element_type3A_317 : vector<512x24xi32> to vector<512x24xf32>
    %add3A_319 = arith.addf %add3A_314, %convert_element_type3A_318 : vector<512x24xf32>
    %sub3A_320 = arith.subf %add3A_309, %convert_element_type3A_318 : vector<512x24xf32>
    %lt3A = arith.constant 4.000000e+00 : f32
    %lt3A_321 = vector.broadcast %lt3A : f32 to vector<512x24xf32>
    %lt3A_322 = arith.cmpf olt, %sub3A_270, %lt3A_321 : vector<512x24xf32>
    %lt3A_323 = arith.constant 4.000000e+00 : f32
    %lt3A_324 = vector.broadcast %lt3A_323 : f32 to vector<512x24xf32>
    %lt3A_325 = arith.cmpf olt, %sub3A_290, %lt3A_324 : vector<512x24xf32>
    %lt3A_326 = arith.constant 4.000000e+00 : f32
    %lt3A_327 = vector.broadcast %lt3A_326 : f32 to vector<512x24xf32>
    %lt3A_328 = arith.cmpf olt, %sub3A_305, %lt3A_327 : vector<512x24xf32>
    %lt3A_329 = arith.constant 4.000000e+00 : f32
    %lt3A_330 = vector.broadcast %lt3A_329 : f32 to vector<512x24xf32>
    %lt3A_331 = arith.cmpf olt, %sub3A_315, %lt3A_330 : vector<512x24xf32>
    %lt3A_332 = arith.constant 4.000000e+00 : f32
    %lt3A_333 = vector.broadcast %lt3A_332 : f32 to vector<512x24xf32>
    %lt3A_334 = arith.cmpf olt, %sub3A_320, %lt3A_333 : vector<512x24xf32>
    %lt3A_335 = arith.constant 4.000000e+00 : f32
    %lt3A_336 = vector.broadcast %lt3A_335 : f32 to vector<512x24xf32>
    %lt3A_337 = arith.cmpf olt, %add3A_319, %lt3A_336 : vector<512x24xf32>
    %jit3A = arith.constant -3.000000e+38 : f32
    %broadcast_in_dim3A_338 = vector.broadcast %jit3A : f32 to vector<512x24xf32>
    %select_n3A = arith.select %lt3A_322, %mul3A_135, %broadcast_in_dim3A_338 : vector<512x24xi1>, vector<512x24xf32>
    %jit3A_339 = arith.constant -3.000000e+38 : f32
    %broadcast_in_dim3A_340 = vector.broadcast %jit3A_339 : f32 to vector<512x24xf32>
    %select_n3A_341 = arith.select %lt3A_325, %mul3A_154, %broadcast_in_dim3A_340 : vector<512x24xi1>, vector<512x24xf32>
    %jit3A_342 = arith.constant -3.000000e+38 : f32
    %broadcast_in_dim3A_343 = vector.broadcast %jit3A_342 : f32 to vector<512x24xf32>
    %select_n3A_344 = arith.select %lt3A_328, %mul3A_173, %broadcast_in_dim3A_343 : vector<512x24xi1>, vector<512x24xf32>
    %jit3A_345 = arith.constant -3.000000e+38 : f32
    %broadcast_in_dim3A_346 = vector.broadcast %jit3A_345 : f32 to vector<512x24xf32>
    %select_n3A_347 = arith.select %lt3A_331, %mul3A_192, %broadcast_in_dim3A_346 : vector<512x24xi1>, vector<512x24xf32>
    %jit3A_348 = arith.constant -3.000000e+38 : f32
    %broadcast_in_dim3A_349 = vector.broadcast %jit3A_348 : f32 to vector<512x24xf32>
    %select_n3A_350 = arith.select %lt3A_334, %mul3A_211, %broadcast_in_dim3A_349 : vector<512x24xi1>, vector<512x24xf32>
    %jit3A_351 = arith.constant -3.000000e+38 : f32
    %broadcast_in_dim3A_352 = vector.broadcast %jit3A_351 : f32 to vector<512x24xf32>
    %select_n3A_353 = arith.select %lt3A_337, %mul3A_230, %broadcast_in_dim3A_352 : vector<512x24xi1>, vector<512x24xf32>
    %max3A = arith.maximumf %select_n3A, %select_n3A_341 : vector<512x24xf32>
    %max3A_354 = arith.maximumf %max3A, %select_n3A_344 : vector<512x24xf32>
    %max3A_355 = arith.maximumf %max3A_354, %select_n3A_347 : vector<512x24xf32>
    %max3A_356 = arith.maximumf %max3A_355, %select_n3A_350 : vector<512x24xf32>
    %max3A_357 = arith.maximumf %max3A_356, %select_n3A_353 : vector<512x24xf32>
    %sub3A_358 = arith.subf %mul3A_135, %max3A_357 : vector<512x24xf32>
    %exp3A = math.exp %sub3A_358 : vector<512x24xf32>
    %jit3A_359 = arith.constant 0.000000e+00 : f32
    %broadcast_in_dim3A_360 = vector.broadcast %jit3A_359 : f32 to vector<512x24xf32>
    %select_n3A_361 = arith.select %lt3A_322, %exp3A, %broadcast_in_dim3A_360 : vector<512x24xi1>, vector<512x24xf32>
    %sub3A_362 = arith.subf %mul3A_154, %max3A_357 : vector<512x24xf32>
    %exp3A_363 = math.exp %sub3A_362 : vector<512x24xf32>
    %jit3A_364 = arith.constant 0.000000e+00 : f32
    %broadcast_in_dim3A_365 = vector.broadcast %jit3A_364 : f32 to vector<512x24xf32>
    %select_n3A_366 = arith.select %lt3A_325, %exp3A_363, %broadcast_in_dim3A_365 : vector<512x24xi1>, vector<512x24xf32>
    %sub3A_367 = arith.subf %mul3A_173, %max3A_357 : vector<512x24xf32>
    %exp3A_368 = math.exp %sub3A_367 : vector<512x24xf32>
    %jit3A_369 = arith.constant 0.000000e+00 : f32
    %broadcast_in_dim3A_370 = vector.broadcast %jit3A_369 : f32 to vector<512x24xf32>
    %select_n3A_371 = arith.select %lt3A_328, %exp3A_368, %broadcast_in_dim3A_370 : vector<512x24xi1>, vector<512x24xf32>
    %sub3A_372 = arith.subf %mul3A_192, %max3A_357 : vector<512x24xf32>
    %exp3A_373 = math.exp %sub3A_372 : vector<512x24xf32>
    %jit3A_374 = arith.constant 0.000000e+00 : f32
    %broadcast_in_dim3A_375 = vector.broadcast %jit3A_374 : f32 to vector<512x24xf32>
    %select_n3A_376 = arith.select %lt3A_331, %exp3A_373, %broadcast_in_dim3A_375 : vector<512x24xi1>, vector<512x24xf32>
    %sub3A_377 = arith.subf %mul3A_211, %max3A_357 : vector<512x24xf32>
    %exp3A_378 = math.exp %sub3A_377 : vector<512x24xf32>
    %jit3A_379 = arith.constant 0.000000e+00 : f32
    %broadcast_in_dim3A_380 = vector.broadcast %jit3A_379 : f32 to vector<512x24xf32>
    %select_n3A_381 = arith.select %lt3A_334, %exp3A_378, %broadcast_in_dim3A_380 : vector<512x24xi1>, vector<512x24xf32>
    %sub3A_382 = arith.subf %mul3A_230, %max3A_357 : vector<512x24xf32>
    %exp3A_383 = math.exp %sub3A_382 : vector<512x24xf32>
    %jit3A_384 = arith.constant 0.000000e+00 : f32
    %broadcast_in_dim3A_385 = vector.broadcast %jit3A_384 : f32 to vector<512x24xf32>
    %select_n3A_386 = arith.select %lt3A_337, %exp3A_383, %broadcast_in_dim3A_385 : vector<512x24xi1>, vector<512x24xf32>
    %add3A_387 = arith.addf %select_n3A_361, %select_n3A_366 : vector<512x24xf32>
    %add3A_388 = arith.addf %add3A_387, %select_n3A_371 : vector<512x24xf32>
    %add3A_389 = arith.addf %add3A_388, %select_n3A_376 : vector<512x24xf32>
    %add3A_390 = arith.addf %add3A_389, %select_n3A_381 : vector<512x24xf32>
    %add3A_391 = arith.addf %add3A_390, %select_n3A_386 : vector<512x24xf32>
    %div3A = arith.constant 1.000000e+00 : f32
    %div3A_392 = vector.broadcast %div3A : f32 to vector<512x24xf32>
    %div3A_393 = arith.divf %div3A_392, %add3A_391 : vector<512x24xf32>
    %mul3A_394 = arith.mulf %select_n3A_361, %div3A_393 : vector<512x24xf32>
    %mul3A_395 = arith.mulf %select_n3A_366, %div3A_393 : vector<512x24xf32>
    %mul3A_396 = arith.mulf %select_n3A_371, %div3A_393 : vector<512x24xf32>
    %mul3A_397 = arith.mulf %select_n3A_376, %div3A_393 : vector<512x24xf32>
    %mul3A_398 = arith.mulf %select_n3A_381, %div3A_393 : vector<512x24xf32>
    %mul3A_399 = arith.mulf %select_n3A_386, %div3A_393 : vector<512x24xf32>
    %convert_element_type3A_400 = arith.truncf %mul3A_394 : vector<512x24xf32> to vector<512x24xbf16>
    %convert_element_type3A_401 = arith.truncf %mul3A_395 : vector<512x24xf32> to vector<512x24xbf16>
    %convert_element_type3A_402 = arith.truncf %mul3A_396 : vector<512x24xf32> to vector<512x24xbf16>
    %convert_element_type3A_403 = arith.truncf %mul3A_397 : vector<512x24xf32> to vector<512x24xbf16>
    %convert_element_type3A_404 = arith.truncf %mul3A_398 : vector<512x24xf32> to vector<512x24xbf16>
    %convert_element_type3A_405 = arith.truncf %mul3A_399 : vector<512x24xf32> to vector<512x24xbf16>
    %concatenate3A_406 = tpu.concatenate %convert_element_type3A_400, %convert_element_type3A_401, %convert_element_type3A_402, %convert_element_type3A_403, %convert_element_type3A_404, %convert_element_type3A_405 in 1 : vector<512x24xbf16>, vector<512x24xbf16>, vector<512x24xbf16>, vector<512x24xbf16>, vector<512x24xbf16>, vector<512x24xbf16> -> vector<512x144xbf16>
    %get3A_407 = arith.constant 0 : index
    %get3A_408 = arith.constant 0 : index
    %get3A_409 = vector.load %arg10[%get3A_407, %get3A_408] : memref<144x144xbf16, #tpu.memory_space<vmem>>, vector<144x144xbf16>
    %dot_general3A_410 = arith.constant dense<0.000000e+00> : vector<512x144xf32>
    %dot_general3A_411 = tpu.matmul %concatenate3A_406, %get3A_409, %dot_general3A_410 {dimension_numbers = #tpu.dot_dimension_numbers<[1], [0], [0], [1], [0, 0, 1, 1], [], []>, transpose_lhs_hint = false} : vector<512x144xbf16>, vector<144x144xbf16>, vector<512x144xf32> -> vector<512x144xf32>
    %swap3A = arith.constant 0 : index
    %swap3A_412 = arith.constant 0 : index
    %swap3A_413 = vector.load %arg13[%swap3A, %swap3A_412] : memref<512x144xf32, #tpu.memory_space<vmem>>, vector<512x144xf32>
    tpu.vector_store %arg13[%swap3A, %swap3A_412], %dot_general3A_411 {strides = array<i32>} : memref<512x144xf32, #tpu.memory_space<vmem>>, vector<512x144xf32>,
    %get3A_414 = arith.constant 0 : index
    %get3A_415 = arith.constant 0 : index
    %get3A_416 = vector.load %arg11[%get3A_414, %get3A_415] : memref<24x768xbf16, #tpu.memory_space<vmem>>, vector<24x768xbf16>
    %dot_general3A_417 = arith.constant dense<0.000000e+00> : vector<512x768xf32>
    %dot_general3A_418 = tpu.matmul %convert_element_type3A_400, %get3A_416, %dot_general3A_417 {dimension_numbers = #tpu.dot_dimension_numbers<[1], [0], [0], [1], [0, 0, 1, 1], [], []>, transpose_lhs_hint = false} : vector<512x24xbf16>, vector<24x768xbf16>, vector<512x768xf32> -> vector<512x768xf32>
    %dot_general3A_419 = arith.constant dense<0.000000e+00> : vector<512x768xf32>
    %dot_general3A_420 = tpu.matmul %convert_element_type3A_401, %get3A_416, %dot_general3A_419 {dimension_numbers = #tpu.dot_dimension_numbers<[1], [0], [0], [1], [0, 0, 1, 1], [], []>, transpose_lhs_hint = false} : vector<512x24xbf16>, vector<24x768xbf16>, vector<512x768xf32> -> vector<512x768xf32>
    %dot_general3A_421 = arith.constant dense<0.000000e+00> : vector<512x768xf32>
    %dot_general3A_422 = tpu.matmul %convert_element_type3A_402, %get3A_416, %dot_general3A_421 {dimension_numbers = #tpu.dot_dimension_numbers<[1], [0], [0], [1], [0, 0, 1, 1], [], []>, transpose_lhs_hint = false} : vector<512x24xbf16>, vector<24x768xbf16>, vector<512x768xf32> -> vector<512x768xf32>
    %dot_general3A_423 = arith.constant dense<0.000000e+00> : vector<512x768xf32>
    %dot_general3A_424 = tpu.matmul %convert_element_type3A_403, %get3A_416, %dot_general3A_423 {dimension_numbers = #tpu.dot_dimension_numbers<[1], [0], [0], [1], [0, 0, 1, 1], [], []>, transpose_lhs_hint = false} : vector<512x24xbf16>, vector<24x768xbf16>, vector<512x768xf32> -> vector<512x768xf32>
    %dot_general3A_425 = arith.constant dense<0.000000e+00> : vector<512x768xf32>
    %dot_general3A_426 = tpu.matmul %convert_element_type3A_404, %get3A_416, %dot_general3A_425 {dimension_numbers = #tpu.dot_dimension_numbers<[1], [0], [0], [1], [0, 0, 1, 1], [], []>, transpose_lhs_hint = false} : vector<512x24xbf16>, vector<24x768xbf16>, vector<512x768xf32> -> vector<512x768xf32>
    %dot_general3A_427 = arith.constant dense<0.000000e+00> : vector<512x768xf32>
    %dot_general3A_428 = tpu.matmul %convert_element_type3A_405, %get3A_416, %dot_general3A_427 {dimension_numbers = #tpu.dot_dimension_numbers<[1], [0], [0], [1], [0, 0, 1, 1], [], []>, transpose_lhs_hint = false} : vector<512x24xbf16>, vector<24x768xbf16>, vector<512x768xf32> -> vector<512x768xf32>
    %slice3A_429 = vector.extract_strided_slice %dot_general3A_418 {offsets = [0, 0], sizes = [512, 128], strides = [1, 1]} : vector<512x768xf32> to vector<512x128xf32>
    %mul3A_430 = arith.mulf %slice3A_429, %get3A_1 : vector<512x128xf32>
    %slice3A_431 = vector.extract_strided_slice %dot_general3A_420 {offsets = [0, 0], sizes = [512, 128], strides = [1, 1]} : vector<512x768xf32> to vector<512x128xf32>
    %mul3A_432 = arith.mulf %slice3A_431, %get3A_4 : vector<512x128xf32>
    %add3A_433 = arith.addf %mul3A_430, %mul3A_432 : vector<512x128xf32>
    %slice3A_434 = vector.extract_strided_slice %dot_general3A_422 {offsets = [0, 0], sizes = [512, 128], strides = [1, 1]} : vector<512x768xf32> to vector<512x128xf32>
    %mul3A_435 = arith.mulf %slice3A_434, %get3A_7 : vector<512x128xf32>
    %add3A_436 = arith.addf %add3A_433, %mul3A_435 : vector<512x128xf32>
    %slice3A_437 = vector.extract_strided_slice %dot_general3A_424 {offsets = [0, 0], sizes = [512, 128], strides = [1, 1]} : vector<512x768xf32> to vector<512x128xf32>
    %mul3A_438 = arith.mulf %slice3A_437, %get3A_10 : vector<512x128xf32>
    %add3A_439 = arith.addf %add3A_436, %mul3A_438 : vector<512x128xf32>
    %slice3A_440 = vector.extract_strided_slice %dot_general3A_426 {offsets = [0, 0], sizes = [512, 128], strides = [1, 1]} : vector<512x768xf32> to vector<512x128xf32>
    %mul3A_441 = arith.mulf %slice3A_440, %get3A_13 : vector<512x128xf32>
    %add3A_442 = arith.addf %add3A_439, %mul3A_441 : vector<512x128xf32>
    %slice3A_443 = vector.extract_strided_slice %dot_general3A_428 {offsets = [0, 0], sizes = [512, 128], strides = [1, 1]} : vector<512x768xf32> to vector<512x128xf32>
    %mul3A_444 = arith.mulf %slice3A_443, %get3A_16 : vector<512x128xf32>
    %add3A_445 = arith.addf %add3A_442, %mul3A_444 : vector<512x128xf32>
    %swap3A_446 = arith.constant 0 : index
    %swap3A_447 = arith.constant 0 : index
    %swap3A_448 = arith.constant 0 : index
    %swap3A_449 = vector.load %arg12[%swap3A_446, %swap3A_447, %swap3A_448] : memref<512x6x128xf32, #tpu.memory_space<vmem>>, vector<512x1x128xf32>
    %swap3A_450 = vector.shape_cast %swap3A_449 : vector<512x1x128xf32> to vector<512x128xf32>
    %swap3A_451 = vector.shape_cast %add3A_445 : vector<512x128xf32> to vector<512x1x128xf32>
    tpu.vector_store %arg12[%swap3A_446, %swap3A_447, %swap3A_448], %swap3A_451 {strides = array<i32>} : memref<512x6x128xf32, #tpu.memory_space<vmem>>, vector<512x1x128xf32>,
    %slice3A_452 = vector.extract_strided_slice %dot_general3A_418 {offsets = [0, 128], sizes = [512, 128], strides = [1, 1]} : vector<512x768xf32> to vector<512x128xf32>
    %mul3A_453 = arith.mulf %slice3A_452, %get3A_1 : vector<512x128xf32>
    %slice3A_454 = vector.extract_strided_slice %dot_general3A_420 {offsets = [0, 128], sizes = [512, 128], strides = [1, 1]} : vector<512x768xf32> to vector<512x128xf32>
    %mul3A_455 = arith.mulf %slice3A_454, %get3A_4 : vector<512x128xf32>
    %add3A_456 = arith.addf %mul3A_453, %mul3A_455 : vector<512x128xf32>
    %slice3A_457 = vector.extract_strided_slice %dot_general3A_422 {offsets = [0, 128], sizes = [512, 128], strides = [1, 1]} : vector<512x768xf32> to vector<512x128xf32>
    %mul3A_458 = arith.mulf %slice3A_457, %get3A_7 : vector<512x128xf32>
    %add3A_459 = arith.addf %add3A_456, %mul3A_458 : vector<512x128xf32>
    %slice3A_460 = vector.extract_strided_slice %dot_general3A_424 {offsets = [0, 128], sizes = [512, 128], strides = [1, 1]} : vector<512x768xf32> to vector<512x128xf32>
    %mul3A_461 = arith.mulf %slice3A_460, %get3A_10 : vector<512x128xf32>
    %add3A_462 = arith.addf %add3A_459, %mul3A_461 : vector<512x128xf32>
    %slice3A_463 = vector.extract_strided_slice %dot_general3A_426 {offsets = [0, 128], sizes = [512, 128], strides = [1, 1]} : vector<512x768xf32> to vector<512x128xf32>
    %mul3A_464 = arith.mulf %slice3A_463, %get3A_13 : vector<512x128xf32>
    %add3A_465 = arith.addf %add3A_462, %mul3A_464 : vector<512x128xf32>
    %slice3A_466 = vector.extract_strided_slice %dot_general3A_428 {offsets = [0, 128], sizes = [512, 128], strides = [1, 1]} : vector<512x768xf32> to vector<512x128xf32>
    %mul3A_467 = arith.mulf %slice3A_466, %get3A_16 : vector<512x128xf32>
    %add3A_468 = arith.addf %add3A_465, %mul3A_467 : vector<512x128xf32>
    %swap3A_469 = arith.constant 0 : index
    %swap3A_470 = arith.constant 1 : index
    %swap3A_471 = arith.constant 0 : index
    %swap3A_472 = vector.load %arg12[%swap3A_469, %swap3A_470, %swap3A_471] : memref<512x6x128xf32, #tpu.memory_space<vmem>>, vector<512x1x128xf32>
    %swap3A_473 = vector.shape_cast %swap3A_472 : vector<512x1x128xf32> to vector<512x128xf32>
    %swap3A_474 = vector.shape_cast %add3A_468 : vector<512x128xf32> to vector<512x1x128xf32>
    tpu.vector_store %arg12[%swap3A_469, %swap3A_470, %swap3A_471], %swap3A_474 {strides = array<i32>} : memref<512x6x128xf32, #tpu.memory_space<vmem>>, vector<512x1x128xf32>,
    %slice3A_475 = vector.extract_strided_slice %dot_general3A_418 {offsets = [0, 256], sizes = [512, 128], strides = [1, 1]} : vector<512x768xf32> to vector<512x128xf32>
    %mul3A_476 = arith.mulf %slice3A_475, %get3A_1 : vector<512x128xf32>
    %slice3A_477 = vector.extract_strided_slice %dot_general3A_420 {offsets = [0, 256], sizes = [512, 128], strides = [1, 1]} : vector<512x768xf32> to vector<512x128xf32>
    %mul3A_478 = arith.mulf %slice3A_477, %get3A_4 : vector<512x128xf32>
    %add3A_479 = arith.addf %mul3A_476, %mul3A_478 : vector<512x128xf32>
    %slice3A_480 = vector.extract_strided_slice %dot_general3A_422 {offsets = [0, 256], sizes = [512, 128], strides = [1, 1]} : vector<512x768xf32> to vector<512x128xf32>
    %mul3A_481 = arith.mulf %slice3A_480, %get3A_7 : vector<512x128xf32>
    %add3A_482 = arith.addf %add3A_479, %mul3A_481 : vector<512x128xf32>
    %slice3A_483 = vector.extract_strided_slice %dot_general3A_424 {offsets = [0, 256], sizes = [512, 128], strides = [1, 1]} : vector<512x768xf32> to vector<512x128xf32>
    %mul3A_484 = arith.mulf %slice3A_483, %get3A_10 : vector<512x128xf32>
    %add3A_485 = arith.addf %add3A_482, %mul3A_484 : vector<512x128xf32>
    %slice3A_486 = vector.extract_strided_slice %dot_general3A_426 {offsets = [0, 256], sizes = [512, 128], strides = [1, 1]} : vector<512x768xf32> to vector<512x128xf32>
    %mul3A_487 = arith.mulf %slice3A_486, %get3A_13 : vector<512x128xf32>
    %add3A_488 = arith.addf %add3A_485, %mul3A_487 : vector<512x128xf32>
    %slice3A_489 = vector.extract_strided_slice %dot_general3A_428 {offsets = [0, 256], sizes = [512, 128], strides = [1, 1]} : vector<512x768xf32> to vector<512x128xf32>
    %mul3A_490 = arith.mulf %slice3A_489, %get3A_16 : vector<512x128xf32>
    %add3A_491 = arith.addf %add3A_488, %mul3A_490 : vector<512x128xf32>
    %swap3A_492 = arith.constant 0 : index
    %swap3A_493 = arith.constant 2 : index
    %swap3A_494 = arith.constant 0 : index
    %swap3A_495 = vector.load %arg12[%swap3A_492, %swap3A_493, %swap3A_494] : memref<512x6x128xf32, #tpu.memory_space<vmem>>, vector<512x1x128xf32>
    %swap3A_496 = vector.shape_cast %swap3A_495 : vector<512x1x128xf32> to vector<512x128xf32>
    %swap3A_497 = vector.shape_cast %add3A_491 : vector<512x128xf32> to vector<512x1x128xf32>
    tpu.vector_store %arg12[%swap3A_492, %swap3A_493, %swap3A_494], %swap3A_497 {strides = array<i32>} : memref<512x6x128xf32, #tpu.memory_space<vmem>>, vector<512x1x128xf32>,
    %slice3A_498 = vector.extract_strided_slice %dot_general3A_418 {offsets = [0, 384], sizes = [512, 128], strides = [1, 1]} : vector<512x768xf32> to vector<512x128xf32>
    %mul3A_499 = arith.mulf %slice3A_498, %get3A_1 : vector<512x128xf32>
    %slice3A_500 = vector.extract_strided_slice %dot_general3A_420 {offsets = [0, 384], sizes = [512, 128], strides = [1, 1]} : vector<512x768xf32> to vector<512x128xf32>
    %mul3A_501 = arith.mulf %slice3A_500, %get3A_4 : vector<512x128xf32>
    %add3A_502 = arith.addf %mul3A_499, %mul3A_501 : vector<512x128xf32>
    %slice3A_503 = vector.extract_strided_slice %dot_general3A_422 {offsets = [0, 384], sizes = [512, 128], strides = [1, 1]} : vector<512x768xf32> to vector<512x128xf32>
    %mul3A_504 = arith.mulf %slice3A_503, %get3A_7 : vector<512x128xf32>
    %add3A_505 = arith.addf %add3A_502, %mul3A_504 : vector<512x128xf32>
    %slice3A_506 = vector.extract_strided_slice %dot_general3A_424 {offsets = [0, 384], sizes = [512, 128], strides = [1, 1]} : vector<512x768xf32> to vector<512x128xf32>
    %mul3A_507 = arith.mulf %slice3A_506, %get3A_10 : vector<512x128xf32>
    %add3A_508 = arith.addf %add3A_505, %mul3A_507 : vector<512x128xf32>
    %slice3A_509 = vector.extract_strided_slice %dot_general3A_426 {offsets = [0, 384], sizes = [512, 128], strides = [1, 1]} : vector<512x768xf32> to vector<512x128xf32>
    %mul3A_510 = arith.mulf %slice3A_509, %get3A_13 : vector<512x128xf32>
    %add3A_511 = arith.addf %add3A_508, %mul3A_510 : vector<512x128xf32>
    %slice3A_512 = vector.extract_strided_slice %dot_general3A_428 {offsets = [0, 384], sizes = [512, 128], strides = [1, 1]} : vector<512x768xf32> to vector<512x128xf32>
    %mul3A_513 = arith.mulf %slice3A_512, %get3A_16 : vector<512x128xf32>
    %add3A_514 = arith.addf %add3A_511, %mul3A_513 : vector<512x128xf32>
    %swap3A_515 = arith.constant 0 : index
    %swap3A_516 = arith.constant 3 : index
    %swap3A_517 = arith.constant 0 : index
    %swap3A_518 = vector.load %arg12[%swap3A_515, %swap3A_516, %swap3A_517] : memref<512x6x128xf32, #tpu.memory_space<vmem>>, vector<512x1x128xf32>
    %swap3A_519 = vector.shape_cast %swap3A_518 : vector<512x1x128xf32> to vector<512x128xf32>
    %swap3A_520 = vector.shape_cast %add3A_514 : vector<512x128xf32> to vector<512x1x128xf32>
    tpu.vector_store %arg12[%swap3A_515, %swap3A_516, %swap3A_517], %swap3A_520 {strides = array<i32>} : memref<512x6x128xf32, #tpu.memory_space<vmem>>, vector<512x1x128xf32>,
    %slice3A_521 = vector.extract_strided_slice %dot_general3A_418 {offsets = [0, 512], sizes = [512, 128], strides = [1, 1]} : vector<512x768xf32> to vector<512x128xf32>
    %mul3A_522 = arith.mulf %slice3A_521, %get3A_1 : vector<512x128xf32>
    %slice3A_523 = vector.extract_strided_slice %dot_general3A_420 {offsets = [0, 512], sizes = [512, 128], strides = [1, 1]} : vector<512x768xf32> to vector<512x128xf32>
    %mul3A_524 = arith.mulf %slice3A_523, %get3A_4 : vector<512x128xf32>
    %add3A_525 = arith.addf %mul3A_522, %mul3A_524 : vector<512x128xf32>
    %slice3A_526 = vector.extract_strided_slice %dot_general3A_422 {offsets = [0, 512], sizes = [512, 128], strides = [1, 1]} : vector<512x768xf32> to vector<512x128xf32>
    %mul3A_527 = arith.mulf %slice3A_526, %get3A_7 : vector<512x128xf32>
    %add3A_528 = arith.addf %add3A_525, %mul3A_527 : vector<512x128xf32>
    %slice3A_529 = vector.extract_strided_slice %dot_general3A_424 {offsets = [0, 512], sizes = [512, 128], strides = [1, 1]} : vector<512x768xf32> to vector<512x128xf32>
    %mul3A_530 = arith.mulf %slice3A_529, %get3A_10 : vector<512x128xf32>
    %add3A_531 = arith.addf %add3A_528, %mul3A_530 : vector<512x128xf32>
    %slice3A_532 = vector.extract_strided_slice %dot_general3A_426 {offsets = [0, 512], sizes = [512, 128], strides = [1, 1]} : vector<512x768xf32> to vector<512x128xf32>
    %mul3A_533 = arith.mulf %slice3A_532, %get3A_13 : vector<512x128xf32>
    %add3A_534 = arith.addf %add3A_531, %mul3A_533 : vector<512x128xf32>
    %slice3A_535 = vector.extract_strided_slice %dot_general3A_428 {offsets = [0, 512], sizes = [512, 128], strides = [1, 1]} : vector<512x768xf32> to vector<512x128xf32>
    %mul3A_536 = arith.mulf %slice3A_535, %get3A_16 : vector<512x128xf32>
    %add3A_537 = arith.addf %add3A_534, %mul3A_536 : vector<512x128xf32>
    %swap3A_538 = arith.constant 0 : index
    %swap3A_539 = arith.constant 4 : index
    %swap3A_540 = arith.constant 0 : index
    %swap3A_541 = vector.load %arg12[%swap3A_538, %swap3A_539, %swap3A_540] : memref<512x6x128xf32, #tpu.memory_space<vmem>>, vector<512x1x128xf32>
    %swap3A_542 = vector.shape_cast %swap3A_541 : vector<512x1x128xf32> to vector<512x128xf32>
    %swap3A_543 = vector.shape_cast %add3A_537 : vector<512x128xf32> to vector<512x1x128xf32>
    tpu.vector_store %arg12[%swap3A_538, %swap3A_539, %swap3A_540], %swap3A_543 {strides = array<i32>} : memref<512x6x128xf32, #tpu.memory_space<vmem>>, vector<512x1x128xf32>,
    %slice3A_544 = vector.extract_strided_slice %dot_general3A_418 {offsets = [0, 640], sizes = [512, 128], strides = [1, 1]} : vector<512x768xf32> to vector<512x128xf32>
    %mul3A_545 = arith.mulf %slice3A_544, %get3A_1 : vector<512x128xf32>
    %slice3A_546 = vector.extract_strided_slice %dot_general3A_420 {offsets = [0, 640], sizes = [512, 128], strides = [1, 1]} : vector<512x768xf32> to vector<512x128xf32>
    %mul3A_547 = arith.mulf %slice3A_546, %get3A_4 : vector<512x128xf32>
    %add3A_548 = arith.addf %mul3A_545, %mul3A_547 : vector<512x128xf32>
    %slice3A_549 = vector.extract_strided_slice %dot_general3A_422 {offsets = [0, 640], sizes = [512, 128], strides = [1, 1]} : vector<512x768xf32> to vector<512x128xf32>
    %mul3A_550 = arith.mulf %slice3A_549, %get3A_7 : vector<512x128xf32>
    %add3A_551 = arith.addf %add3A_548, %mul3A_550 : vector<512x128xf32>
    %slice3A_552 = vector.extract_strided_slice %dot_general3A_424 {offsets = [0, 640], sizes = [512, 128], strides = [1, 1]} : vector<512x768xf32> to vector<512x128xf32>
    %mul3A_553 = arith.mulf %slice3A_552, %get3A_10 : vector<512x128xf32>
    %add3A_554 = arith.addf %add3A_551, %mul3A_553 : vector<512x128xf32>
    %slice3A_555 = vector.extract_strided_slice %dot_general3A_426 {offsets = [0, 640], sizes = [512, 128], strides = [1, 1]} : vector<512x768xf32> to vector<512x128xf32>
    %mul3A_556 = arith.mulf %slice3A_555, %get3A_13 : vector<512x128xf32>
    %add3A_557 = arith.addf %add3A_554, %mul3A_556 : vector<512x128xf32>
    %slice3A_558 = vector.extract_strided_slice %dot_general3A_428 {offsets = [0, 640], sizes = [512, 128], strides = [1, 1]} : vector<512x768xf32> to vector<512x128xf32>
    %mul3A_559 = arith.mulf %slice3A_558, %get3A_16 : vector<512x128xf32>
    %add3A_560 = arith.addf %add3A_557, %mul3A_559 : vector<512x128xf32>
    %swap3A_561 = arith.constant 0 : index
    %swap3A_562 = arith.constant 5 : index
    %swap3A_563 = arith.constant 0 : index
    %swap3A_564 = vector.load %arg12[%swap3A_561, %swap3A_562, %swap3A_563] : memref<512x6x128xf32, #tpu.memory_space<vmem>>, vector<512x1x128xf32>
    %swap3A_565 = vector.shape_cast %swap3A_564 : vector<512x1x128xf32> to vector<512x128xf32>
    %swap3A_566 = vector.shape_cast %add3A_560 : vector<512x128xf32> to vector<512x1x128xf32>
    tpu.vector_store %arg12[%swap3A_561, %swap3A_562, %swap3A_563], %swap3A_566 {strides = array<i32>} : memref<512x6x128xf32, #tpu.memory_space<vmem>>, vector<512x1x128xf32>,
    return
  }
  func.func @transform_0(%arg0: i32) -> (i32, i32) {
    %c0_i32 = arith.constant 0 : i32
    %c0_i32_0 = arith.constant 0 : i32
    return %arg0, %c0_i32 : i32, i32
  }
  func.func @transform_1(%arg0: i32) -> (i32, i32) {
    %c0_i32 = arith.constant 0 : i32
    %c0_i32_0 = arith.constant 0 : i32
    return %arg0, %c0_i32 : i32, i32
  }
  func.func @transform_2(%arg0: i32) -> (i32, i32) {
    %c0_i32 = arith.constant 0 : i32
    %c0_i32_0 = arith.constant 0 : i32
    %c0_i32_1 = arith.constant 0 : i32
    return %c0_i32, %c0_i32_0 : i32, i32
  }
  func.func @transform_3(%arg0: i32) -> (i32, i32) {
    %c0_i32 = arith.constant 0 : i32
    %c0_i32_0 = arith.constant 0 : i32
    %c0_i32_1 = arith.constant 0 : i32
    return %c0_i32, %c0_i32_0 : i32, i32
  }
  func.func @transform_4(%arg0: i32) -> (i32, i32) {
    %c0_i32 = arith.constant 0 : i32
    %c0_i32_0 = arith.constant 0 : i32
    %c0_i32_1 = arith.constant 0 : i32
    return %c0_i32, %c0_i32_0 : i32, i32
  }
  func.func @transform_5(%arg0: i32) -> (i32, i32) {
    %c0_i32 = arith.constant 0 : i32
    %c0_i32_0 = arith.constant 0 : i32
    %c0_i32_1 = arith.constant 0 : i32
    return %c0_i32, %c0_i32_0 : i32, i32
  }
  func.func @transform_6(%arg0: i32) -> (i32, i32) {
    %c0_i32 = arith.constant 0 : i32
    %c0_i32_0 = arith.constant 0 : i32
    %c0_i32_1 = arith.constant 0 : i32
    return %c0_i32, %c0_i32_0 : i32, i32
  }
  func.func @transform_7(%arg0: i32) -> (i32, i32) {
    %c0_i32 = arith.constant 0 : i32
    %c0_i32_0 = arith.constant 0 : i32
    %c0_i32_1 = arith.constant 0 : i32
    return %c0_i32, %c0_i32_0 : i32, i32
  }
  func.func @transform_8(%arg0: i32) -> (i32, i32) {
    %c0_i32 = arith.constant 0 : i32
    %c0_i32_0 = arith.constant 0 : i32
    %c0_i32_1 = arith.constant 0 : i32
    return %c0_i32, %c0_i32_0 : i32, i32
  }
  func.func @transform_9(%arg0: i32) -> (i32, i32) {
    %c0_i32 = arith.constant 0 : i32
    %c0_i32_0 = arith.constant 0 : i32
    %c0_i32_1 = arith.constant 0 : i32
    return %c0_i32, %c0_i32_0 : i32, i32
  }
  func.func @transform_10(%arg0: i32) -> (i32, i32) {
    %c0_i32 = arith.constant 0 : i32
    %c0_i32_0 = arith.constant 0 : i32
    %c0_i32_1 = arith.constant 0 : i32
    return %c0_i32, %c0_i32_0 : i32, i32
  }
  func.func @transform_11(%arg0: i32) -> (i32, i32, i32) {
    %c0_i32 = arith.constant 0 : i32
    %c0_i32_0 = arith.constant 0 : i32
    %c0_i32_1 = arith.constant 0 : i32
    return %arg0, %c0_i32, %c0_i32_0 : i32, i32, i32
  }
  func.func @transform_12(%arg0: i32) -> (i32, i32) {
    %c0_i32 = arith.constant 0 : i32
    %c0_i32_0 = arith.constant 0 : i32
    return %arg0, %c0_i32 : i32, i32
  }
}

</mosaic_0001>

<sc_bundles>
// kernel: kernel.4.cloned.1.call-start
scs
__scs_entry_jumppad:
0x0: {  	(pc) =	sbr.rel $0x88, $3  }
0x1: {  	(tag) =	ssettag $0x0;
	lr =	simm.s32 $0x1  }
0x2: {  	[smem:$0x3F98] =	sst lr;
	_ =	strace $0xD0000000  }
0x3: {  	_ = 	snop  }
0x4: {  	_ = 	snop  }
0x5: {  	_ = 	snop  }
0x6: {  	_ = 	snop  }
0x7: {  	_ = 	snop  }
__scs_overlays_trampoline_lowered:
0x8: {  	[smem:$0x3FA7] =	sst s0  }
0x9: {  	[smem:$0x3FA8] =	sst s1  }
0xa: {  	[smem:$0x3FA9] =	sst s2  }
0xb: {  	[smem:$0x3FAA] =	sst s3  }
0xc: {  	[smem:$0x3FAB] =	sst s4  }
0xd: {  	[smem:$0x3FAC] =	sst s5  }
0xe: {  	[smem:$0x3FAD] =	sst s6  }
0xf: {  	[smem:$0x3FAE] =	sst s7  }
0x10: {  	[smem:$0x3FAF] =	sst s8  }
0x11: {  	[smem:$0x3FB0] =	sst s9;
	s0 =	simm.s32 @!p0 $0x0  }
0x12: {  	s1 =	sld [smem:$0x3F96];
	s0 =	simm.s32 @p0 $0x1  }
0x13: {  	[smem:$0x3FB1] =	sst s0;
	s0 =	simm.s32 @!p1 $0x0  }
0x14: {  	s2 =	sld [smem:$0x3F95];
	s0 =	simm.s32 @p1 $0x1  }
0x15: {  	[smem:$0x3FB2] =	sst s0;
	s0 =	simm.s32 @!p2 $0x0  }
0x16: {  	s3 =	sld [smem:$0x3FDB];
	s0 =	simm.s32 @p2 $0x1  }
0x17: {  	s4 =	simm.s32 $0x1BF5;
	[smem:$0x3FB4] =	sst s0  }
0x18: {  	s0 =	sld [smem:$0x3F97];
	_ =	swait.ge [sflag:s4], $0x0  }
0x19: {  	s7 =	sld [smem:$0x3F98]  }
0x1a: {  	s8 =	sadd.s32 $0xFFFFE003, lr  }
0x1b: {  	s9 =	sadd.s32 $0xFFFFFEF7, lr;
	s5 =	simm.s32 $0xFFFFFFFF;
	p2 =	slt.u32 s8, $0xFFFFF086  }
0x1c: {  	p1 =	slt.u32 s9, $0xF7A;
	s5 =	simm.s32 @!p2 $0x0  }
0x1d: {  	s5 =	simm.s32 @p1 $0x1;
	p0 =	seq.s32 s7, s2  }
0x1e: {  	s7 =	smul.u32 @!p0 $0xF7A, s2;
	p2 =	seq.s32 @!p0 s5, $0x0  }
0x1f: {  	s9 =	smul.u32 $0xF7A, s1;
	s8 =	simm.s32 @!p0 $0x1BF5;
	p2 =	por !p2, p0  }
0x20: {  	[sflag:s8] =	ssyncset.s32 @!p0 $0xFFFFF086;
	s6 =	sadd.s32 @!p0 s3, s7;
	s7 =	simm.s32 @!p0 $0x108  }
0x21: {  	s3 =	sadd.s32 s3, s9;
	s6 =	sadd.s32 @!p0 $0x88, s6;
	s7 =	simm.s32 @p2 $0x1082  }
0x22: {  	[simem:s7], [sflag:s8] =	dma.local @!p0 [hbm:s6], $0xF7A  }
0x23: {  	s9 =	sor.u32 $0xD0000000, s2;
	s6 =	simm.s32 $0x108;
	_ =	swait.ge @!p0 [sflag:s8], $0x0  }
0x24: {  	s3 =	sadd.s32 $0x88, s3;
	s6 =	simm.s32 @!p1 $0x1082;
	[sflag:s4] =	ssyncset.s32 $0xFFFFF086  }
0x25: {  	[simem:s6], [sflag:s4] =	dma.local [hbm:s3], $0xF7A  }
0x26: {  	[smem:$0x3F98] =	sst s1;
	(tag) =	ssettag s2;
	_ =	strace s9  }
0x27: {  	s1 =	sld [smem:$0x3FA8]  }
0x28: {  	s2 =	sld [smem:$0x3FA9]  }
0x29: {  	s4 =	sld [smem:$0x3FAB]  }
0x2a: {  	p0 =	seq.s32 s5, $0x0;
	s5 =	sld [smem:$0x3FAC]  }
0x2b: {  	s6 =	sld [smem:$0x3FAD]  }
0x2c: {  	s7 =	sld [smem:$0x3FAE]  }
0x2d: {  	s3 =	simm.s32 $0x108;
	s8 =	sld [smem:$0x3FAF]  }
0x2e: {  	s3 =	simm.s32 @!p0 $0x1082;
	s9 =	sld [smem:$0x3FB0]  }
0x2f: {  	lr =	sadd.s32 s0, s3;
	s0 =	sld [smem:$0x3FA7]  }
0x30: {  	s3 =	sld [smem:$0x3FAA]  }
0x31: {  	[smem:$0x3FB3] =	sst s10  }
0x32: {  	s10 =	sld [smem:$0x3FB1];
	_ =	sdelay $0x3  }
0x33: {  	p0 =	seq.s32 s10, $0x1;
	s10 =	sld [smem:$0x3FB3];
	_ =	sdelay $0x3  }
0x34: {  	[smem:$0x3FB3] =	sst s10  }
0x35: {  	s10 =	sld [smem:$0x3FB2];
	_ =	sdelay $0x3  }
0x36: {  	p1 =	seq.s32 s10, $0x1;
	s10 =	sld [smem:$0x3FB3];
	_ =	sdelay $0x3  }
0x37: {  	[smem:$0x3FB3] =	sst s10  }
0x38: {  	s10 =	sld [smem:$0x3FB4]  }
0x39: {  	_ = 	snop;
	(pc) =	sbr.ind lr, $3  }
0x3a: {  	_ = 	snop  }
0x3b: {  	_ = 	snop  }
0x3c: {  	p2 =	seq.s32 s10, $0x1;
	s10 =	sld [smem:$0x3FB3]  }
0x3d: {  	_ =	shalt  }
0x3e: {  	_ =	shalt  }
0x3f: {  	_ =	shalt  }
0x40: {  	_ =	shalt  }
0x41: {  	_ =	shalt  }
0x42: {  	_ =	shalt  }
0x43: {  	_ =	shalt  }
0x44: {  	_ =	shalt  }
0x45: {  	_ =	shalt  }
0x46: {  	_ =	shalt  }
0x47: {  	_ =	shalt  }
0x48: {  	_ =	shalt  }
0x49: {  	_ =	shalt  }
0x4a: {  	_ =	shalt  }
0x4b: {  	_ =	shalt  }
0x4c: {  	_ =	shalt  }
0x4d: {  	_ =	shalt  }
0x4e: {  	_ =	shalt  }
0x4f: {  	_ =	shalt  }
0x50: {  	_ =	shalt  }
0x51: {  	_ =	shalt  }
0x52: {  	_ =	shalt  }
0x53: {  	_ =	shalt  }
0x54: {  	_ =	shalt  }
0x55: {  	_ =	shalt  }
0x56: {  	_ =	shalt  }
0x57: {  	_ =	shalt  }
0x58: {  	_ =	shalt  }
0x59: {  	_ =	shalt  }
0x5a: {  	_ =	shalt  }
0x5b: {  	_ =	shalt  }
0x5c: {  	_ =	shalt  }
0x5d: {  	_ =	shalt  }
0x5e: {  	_ =	shalt  }
0x5f: {  	_ =	shalt  }
0x60: {  	_ =	shalt  }
0x61: {  	_ =	shalt  }
0x62: {  	_ =	shalt  }
0x63: {  	_ =	shalt  }
0x64: {  	_ =	shalt  }
0x65: {  	_ =	shalt  }
0x66: {  	_ =	shalt  }
0x67: {  	_ =	shalt  }
0x68: {  	_ =	shalt  }
0x69: {  	_ =	shalt  }
0x6a: {  	_ =	shalt  }
0x6b: {  	_ =	shalt  }
0x6c: {  	_ =	shalt  }
0x6d: {  	_ =	shalt  }
0x6e: {  	_ =	shalt  }
0x6f: {  	_ =	shalt  }
0x70: {  	_ =	shalt  }
0x71: {  	_ =	shalt  }
0x72: {  	_ =	shalt  }
0x73: {  	_ =	shalt  }
0x74: {  	_ =	shalt  }
0x75: {  	_ =	shalt  }
0x76: {  	_ =	shalt  }
0x77: {  	_ =	shalt  }
0x78: {  	_ =	shalt  }
0x79: {  	_ =	shalt  }
0x7a: {  	_ =	shalt  }
0x7b: {  	_ =	shalt  }
0x7c: {  	_ =	shalt  }
0x7d: {  	_ =	shalt  }
0x7e: {  	_ =	shalt  }
0x7f: {  	_ =	shalt  }
0x80: {  	_ =	shalt  }
0x81: {  	_ =	shalt  }
0x82: {  	_ =	shalt  }
0x83: {  	_ =	shalt  }
0x84: {  	_ =	shalt  }
0x85: {  	_ =	shalt  }
0x86: {  	_ =	shalt  }
0x87: {  	_ =	shalt  }
.Lfunc_end0:
.L_simem_size_0:
called_computation_lowered:
.L_overlay_start_0:
0x88: {  	s2 =	sld [smem:$0x3FD9]  }
0x89: {  	s3 =	sld [smem:$0x3FFE];
	_ =	sdelay $0x1  }
0x8a: {  	s1 =	srdreg.scid  }
0x8b: {  	s0 =	sand.u32 $0x1, s1  }
0x8c: {  	s14 =	sshll.u32 s0, $0xA;
	s2 =	sadd.s32 s3, s2  }
0x8d: {  	s2 =	sadd.s32 s2, s14  }
0x8e: {  	[smem:$0x3FBF] =	sst s2  }
0x8f: {  	_ = 	snop  }
0x90: {  	s2 =	sld [smem:$0x3FD0];
	_ =	sdelay $0x2  }
0x91: {  	s4 =	simm.s32 $0xA;
	s5 =	simm.s32 $0x10;
	s15 =	sld [smem:$0x3FC7]  }
0x92: {  	[smem:s5], [sflag:s4] =	dma.local [hbm:s2], $0x1  }
0x93: {  	_ =	swait.eq [sflag:s4], $0x1  }
0x94: {  	[sflag:s4] =	ssyncset.done $0x0  }
0x95: {  	[sflag:s4] =	ssyncadd.s32 $0xFFFFFFFF  }
0x96: {  	s16 =	sld [smem:$0x11];
	(tm) =	ssettm $0x1  }
0x97: {  	s17 =	sld [smem:$0x3FFB];
	_ =	sdelay $0x3  }
0x98: {  	_ =	strace s17  }
0x99: {  	s4 =	sld [smem:$0x3FFC];
	_ =	sdelay $0x3  }
0x9a: {  	_ =	strace s4  }
0x9b: {  	s4 =	sld [smem:$0x3FFD];
	_ =	sdelay $0x3  }
0x9c: {  	_ =	strace s4  }
0x9d: {  	_ =	strace $0x8FFFFFFF  }
0x9e: {  	s18 =	sld [smem:$0x3FDB];
	_ =	sdelay $0x1  }
0x9f: {  	s19 =	simm.s32 $_scs_section_size  }
0xa0: {  	s6 =	simm.s32 $_size__tile_overlayer_lowered;
	s7 =	simm.s32 $_tile_overlayer_lowered  }
0xa1: {  	s22 =	simm.s32 $0x1BFF;
	s21 =	sshll.u32 s7, $0x1;
	s4 =	sadd.s32 s19, s18  }
0xa2: {  	s8 =	simm.s32 $0x0;
	s20 =	sshll.u32 s6, $0x1;
	s6 =	sadd.s32 s21, s4  }
0xa3: {  	[timem:s8], [sflag:s22] =	dma.local [hbm:s6], s20  }
0xa4: {  	_ =	swait.ge [sflag:s22], s20  }
0xa5: {  	s5 =	ssub.s32 $0x0, s20;
	[sflag:s22] =	ssyncset.done $0x0  }
0xa6: {  	[sflag:s22] =	ssyncadd.s32 s5;
	_ =	sdelay $0x1  }
0xa7: {  	s23 =	simm.s32 $0x1B8B  }
0xa8: {  	_ =	swait.ge [sflag:s23], $0x1  }
0xa9: {  	[sflag:s23] =	ssyncset.done $0x0  }
0xaa: {  	s25 =	simm.s32 $0x1B8E;
	s24 =	sld [smem:$0x3FFE];
	[sflag:s23] =	ssyncadd.s32 $0xFFFFFFFF  }
0xab: {  	s26 =	simm.s32 $execute0_lowered;
	[smem:$0x3FD2] =	sst s25  }
0xac: {  	s6 =	sshll.u32 s26, $0x1;
	_ =	strace $0x80000046;
	[dreg:$0x1] =	wrdreg $0xFFFFFFFF  }
0xad: {  	s28 =	simm.s32 $_size_execute0_lowered;
	s4 =	sadd.s32 s4, s6;
	[dreg:$0x0] =	wrdreg $0x0  }
0xae: {  	s6 =	sshll.u32 s28, $0x1;
	[dreg:$0x2] =	wrdreg s4  }
0xaf: {  	[dreg:$0x3] =	wrdreg s6  }
0xb0: {  	[dreg:$0x4] =	wrdreg $0xC0  }
0xb1: {  	_ =	task [dreg:s8], $0x5FFFF  }
0xb2: {  	[dreg:$0x1] =	wrdreg $0xFFFFFFFF  }
0xb3: {  	[dreg:$0x0] =	wrdreg $0x60  }
0xb4: {  	[dreg:$0x2] =	wrdreg s24  }
0xb5: {  	[dreg:$0x3] =	wrdreg s15  }
0xb6: {  	[dreg:$0x4] =	wrdreg s16  }
0xb7: {  	[dreg:$0x5] =	wrdreg $0x9  }
0xb8: {  	_ =	task.clear_ibuf [dreg:s8], $0x6FFFF;
	_ =	strace $0x90000046  }
0xb9: {  	s29 =	simm.s32 $0x9;
	_ =	strace $0x80000048  }
0xba: {  	_ =	swait.ge [sflag:s29], $0x1  }
0xbb: {  	[sflag:s29] =	ssyncadd.s32 $0xFFFFFFFF  }
0xbc: {  	_ =	strace $0x90000048  }
0xbd: {  	_ =	sfence  }
0xbe: {  	s30 =	sld [smem:$0x0];
	_ =	sdelay $0x2  }
0xbf: {  	s31 =	sshll.u32 s1, $0xD;
	s1 =	sshrl.u32 s1, $0x2  }
0xc0: {  	s3 =	sand.u32 $0x4000, s31;
	s1 =	sadd.s32 s1, s30  }
0xc1: {  	s0 =	sor.u32 s3, s0;
	s1 =	sshll.u32 s1, $0x11  }
0xc2: {  	s0 =	sor.u32 s1, s0  }
0xc3: {  	s0 =	sadd.s32 $0x8F2B, s0  }
0xc4: {  	[sflag:s0] =	ssyncadd.remote.s32 $0x1  }
0xc5: {  	_ =	sfence.sel $0xFFFF  }
0xc6: {  	[dreg:$0x0] =	wrdreg $0xFFFFFFFF;
	(pc) =	sbr.abs _section_cstart, $3  }
0xc7: {  	[dreg:$0x1] =	wrdreg $0xFFFFFFFF  }
0xc8: {  	_ =	task.clear_ibuf [dreg:s8], $0x2FFFF;
	_ =	strace $0x9FFFFFFF  }
0xc9: {  	(tm) =	ssettm $0x7FFFFFFF  }
tec
execute0_lowered:
.L_overlay_start_1:
0x0: {  	(tag) =	ssettag $0x1  }
0x1: {  	s5 =	rddreg [dreg:$0x0];
	s1 =	srdreg.scid  }
0x2: {  	s3 =	rddreg [dreg:$0x1];
	s0 =	stileid.u32;
	s16 =	sand.u32 $0x1, s1  }
0x3: {  	s10 =	rddreg [dreg:$0x2];
	s4 =	sshll.u32 s0, $0xB;
	s6 =	sshll.u32 s16, $0xA  }
0x4: {  	s2 =	simm.s32 $0x0;
	s1 =	rddreg [dreg:$0x3];
	s11 =	sor.u32 s6, s4  }
0x5: {  	[smem:$0x7FF] =	sst s2;
	s4 =	sshrl.u32 s11, $0x3  }
0x6: {  	_ =	strace $0x80000047;
	s4 =	sadd.s32 s3, s4;
	s3 =	simm.s32 $0x3  }
0x7: {  	[tilespmem:s2], [sflag:$0x3] =	stream.linear.gather [hbm4b:s4+s2], $0x400, $0x38;
	[tilespmem:$0x10400] =	vst v63  }
0x8: {  	_ =	swait.ge [sflag:s3], $0x400  }
0x9: {  	s7 =	simm.s32 $0x400;
	[sflag:s3] =	ssyncset.done $0x0  }
0xa: {  	s5 =	sadd.s32 $0x2200, s5;
	s6 =	simm.s32 $0x100;
	[sflag:s3] =	ssyncadd.s32 $0xFFFFFC00  }
0xb: {  	[tilespmem:s7], [sflag:$0x1] =	stream.indirect.gather [hbm4b:s5+s6], $0x80, s2, s6, $0xb8;
	[tilespmem:$0x10400] =	vst v63  }
0xc: {  	s8 =	simm.s32 $0x8400;
	s9 =	simm.s32 $0x1  }
0xd: {  	[tilespmem:s8], [sflag:$0x2] =	stream.indirect.gather [hbm4b:s5+s6], $0x80, s6, s6, $0xb8;
	[tilespmem:$0x10400] =	vst v63  }
0xe: {  	_ =	swait.ge [sflag:s9], $0x8000  }
0xf: {  	s11 =	sshll.u32 s11, $0x4;
	[sflag:s9] =	ssyncset.done $0x0  }
0x10: {  	s10 =	sadd.s32 s10, s11;
	[sflag:s9] =	ssyncadd.s32 $0xFFFF8000  }
0x11: {  	[hbm4b:s10+s2] =	stream.linear.scatter [tilespmem:s7], [sflag:$0x3], $0x8000, $0x38;
	[tilespmem:$0x10400] =	vst v63  }
0x12: {  	_ =	swait.ge [sflag:s3], $0x8000  }
0x13: {  	[sflag:s3] =	ssyncset.done $0x0  }
0x14: {  	s12 =	simm.s32 $0x2;
	s11 =	simm.s32 $0x200;
	[sflag:s3] =	ssyncadd.s32 $0xFFFF8000  }
0x15: {  	[tilespmem:s7], [sflag:$0x1] =	stream.indirect.gather [hbm4b:s5+s6], $0x80, s11, s6, $0xb8;
	[tilespmem:$0x10400] =	vst v63  }
0x16: {  	_ =	swait.ge [sflag:s12], $0x8000  }
0x17: {  	[sflag:s12] =	ssyncset.done $0x0  }
0x18: {  	s13 =	sadd.s32 $0x1000, s10;
	[sflag:s12] =	ssyncadd.s32 $0xFFFF8000  }
0x19: {  	[hbm4b:s13+s2] =	stream.linear.scatter [tilespmem:s8], [sflag:$0x3], $0x8000, $0x38;
	[tilespmem:$0x10400] =	vst v63  }
0x1a: {  	_ =	swait.ge [sflag:s3], $0x8000  }
0x1b: {  	[sflag:s3] =	ssyncset.done $0x0  }
0x1c: {  	s14 =	simm.s32 $0x300;
	[sflag:s3] =	ssyncadd.s32 $0xFFFF8000  }
0x1d: {  	[tilespmem:s8], [sflag:$0x2] =	stream.indirect.gather [hbm4b:s5+s6], $0x80, s14, s6, $0xb8;
	[tilespmem:$0x10400] =	vst v63  }
0x1e: {  	_ =	swait.ge [sflag:s9], $0x8000  }
0x1f: {  	[sflag:s9] =	ssyncset.done $0x0  }
0x20: {  	s16 =	ssub.s32 $0x2, s16;
	s15 =	sadd.s32 $0x2000, s10;
	[sflag:s9] =	ssyncadd.s32 $0xFFFF8000  }
0x21: {  	[hbm4b:s15+s2] =	stream.linear.scatter [tilespmem:s7], [sflag:$0x3], $0x8000, $0x38;
	[tilespmem:$0x10400] =	vst v63  }
0x22: {  	s17 =	sshrl.u32 s16, $0x1;
	_ =	swait.ge [sflag:s3], $0x8000  }
0x23: {  	s17 =	ssub.s32 s16, s17;
	[sflag:s3] =	ssyncset.done $0x0  }
0x24: {  	s17 =	smax.u32 s17, $0x1;
	[sflag:s3] =	ssyncadd.s32 $0xFFFF8000  }
0x25: {  	p0 =	sne.s32 s17, $0x1;
	_ =	swait.ge [sflag:s12], $0x8000  }
.Ltmp0:
0x26: {  	[sflag:s12] =	ssyncset.done $0x0;
	(pc) =	sbr.rel @!p0 .LBB2_2-.Ltmp0, $4  }
0x27: {  	s16 =	sadd.s32 $0x3000, s10;
	[sflag:s12] =	ssyncadd.s32 $0xFFFF8000  }
0x28: {  	[hbm4b:s16+s2] =	stream.linear.scatter [tilespmem:s8], [sflag:$0x3], $0x8000, $0x38;
	[tilespmem:$0x10400] =	vst v63  }
0x29: {  	_ =	swait.ge [sflag:s3], $0x8000  }
0x2a: {  	s17 =	sadd.s32 $0xFFFFFFFF, s17;
	[sflag:s3] =	ssyncset.done $0x0  }
.LBB2_1:
0x2b: {  	p0 =	sne.s32 s17, $0x1;
	s17 =	sadd.s32 $0xFFFFFFFF, s17;
	[sflag:s3] =	ssyncadd.s32 $0xFFFF8000  }
0x2c: {  	[tilespmem:s2], [sflag:$0x3] =	stream.linear.gather [hbm4b:s4+s2], $0x400, $0x38;
	[tilespmem:$0x10400] =	vst v63  }
0x2d: {  	_ =	swait.ge [sflag:s3], $0x400  }
0x2e: {  	[sflag:s3] =	ssyncset.done $0x0  }
0x2f: {  	[sflag:s3] =	ssyncadd.s32 $0xFFFFFC00  }
0x30: {  	[tilespmem:s7], [sflag:$0x1] =	stream.indirect.gather [hbm4b:s5+s6], $0x80, s2, s6, $0xb8;
	[tilespmem:$0x10400] =	vst v63  }
0x31: {  	_ = 	snop  }
0x32: {  	[tilespmem:s8], [sflag:$0x2] =	stream.indirect.gather [hbm4b:s5+s6], $0x80, s6, s6, $0xb8;
	[tilespmem:$0x10400] =	vst v63  }
0x33: {  	_ =	swait.ge [sflag:s9], $0x8000  }
0x34: {  	[sflag:s9] =	ssyncset.done $0x0  }
0x35: {  	[sflag:s9] =	ssyncadd.s32 $0xFFFF8000  }
0x36: {  	[hbm4b:s10+s2] =	stream.linear.scatter [tilespmem:s7], [sflag:$0x3], $0x8000, $0x38;
	[tilespmem:$0x10400] =	vst v63  }
0x37: {  	_ =	swait.ge [sflag:s3], $0x8000  }
0x38: {  	[sflag:s3] =	ssyncset.done $0x0  }
0x39: {  	[sflag:s3] =	ssyncadd.s32 $0xFFFF8000  }
0x3a: {  	[tilespmem:s7], [sflag:$0x1] =	stream.indirect.gather [hbm4b:s5+s6], $0x80, s11, s6, $0xb8;
	[tilespmem:$0x10400] =	vst v63  }
0x3b: {  	_ =	swait.ge [sflag:s12], $0x8000  }
0x3c: {  	[sflag:s12] =	ssyncset.done $0x0  }
0x3d: {  	[sflag:s12] =	ssyncadd.s32 $0xFFFF8000  }
0x3e: {  	[hbm4b:s13+s2] =	stream.linear.scatter [tilespmem:s8], [sflag:$0x3], $0x8000, $0x38;
	[tilespmem:$0x10400] =	vst v63  }
0x3f: {  	_ =	swait.ge [sflag:s3], $0x8000  }
0x40: {  	[sflag:s3] =	ssyncset.done $0x0  }
0x41: {  	[sflag:s3] =	ssyncadd.s32 $0xFFFF8000  }
0x42: {  	[tilespmem:s8], [sflag:$0x2] =	stream.indirect.gather [hbm4b:s5+s6], $0x80, s14, s6, $0xb8;
	[tilespmem:$0x10400] =	vst v63  }
0x43: {  	_ =	swait.ge [sflag:s9], $0x8000  }
0x44: {  	[sflag:s9] =	ssyncset.done $0x0  }
0x45: {  	[sflag:s9] =	ssyncadd.s32 $0xFFFF8000  }
0x46: {  	[hbm4b:s15+s2] =	stream.linear.scatter [tilespmem:s7], [sflag:$0x3], $0x8000, $0x38;
	[tilespmem:$0x10400] =	vst v63  }
0x47: {  	_ =	swait.ge [sflag:s3], $0x8000  }
0x48: {  	[sflag:s3] =	ssyncset.done $0x0  }
0x49: {  	[sflag:s3] =	ssyncadd.s32 $0xFFFF8000  }
0x4a: {  	_ =	swait.ge [sflag:s12], $0x8000  }
.Ltmp1:
0x4b: {  	[sflag:s12] =	ssyncset.done $0x0;
	(pc) =	sbr.rel @p0 .LBB2_1-.Ltmp1, $4  }
0x4c: {  	[sflag:s12] =	ssyncadd.s32 $0xFFFF8000  }
0x4d: {  	[hbm4b:s16+s2] =	stream.linear.scatter [tilespmem:s8], [sflag:$0x3], $0x8000, $0x38;
	[tilespmem:$0x10400] =	vst v63  }
0x4e: {  	_ =	swait.ge [sflag:s3], $0x8000  }
0x4f: {  	[sflag:s3] =	ssyncset.done $0x0  }
.LBB2_2:
0x50: {  	[sflag:s3] =	ssyncadd.s32 $0xFFFF8000  }
0x51: {  	_ =	sfence.sel $0x180000  }
0x52: {  	[bflag:$0x0] =	sbarrier.arrive $0xFFFF  }
0x53: {  	p0 =	sne.s32 s0, $0x0;
	_ =	strace $0x90000047  }
0x54: {  	s0 =	sadd.s32 @!p0 $0x100000, s1;
	[bflag:$0x2] =	sbarrier.arrive $0xFFFF  }
0x55: {  	[sflag:s0] =	ssyncadd.tile.s32 @!p0 $0x1;
	_ =	shalt  }
.Lfunc_end2:
_tile_overlayer_lowered:
.L_overlay_start_2:
0x56: {  	(tag) =	ssettag $0x2  }
0x57: {  	s0 =	rddreg [dreg:$0x0];
	s2 =	stileid.u32  }
0x58: {  	s1 =	rddreg [dreg:$0x1];
	p0 =	sne.s32 s2, $0x0  }
0x59: {  	s3 =	rddreg [dreg:$0x2];
	[bflag:$0x3] =	sbarrier.arrive $0xFFFF;
	s2 =	simm.s32 @!p0 $0x1C03  }
0x5a: {  	[timem:s3], [sflag:s2] =	dma.local @!p0 [hbm:s0], s1  }
0x5b: {  	s0 =	simm.s32 @!p0 $0x3  }
0x5c: {  	_ =	swait.ge @!p0 [sflag:s0], s1  }
0x5d: {  	s1 =	ssub.s32 @!p0 $0x0, s1;
	[sflag:s0] =	ssyncset.done @!p0 $0x0  }
0x5e: {  	[sflag:s0] =	ssyncadd.s32 @!p0 s1  }
0x5f: {  	[bflag:$0x3] =	sbarrier.arrive $0xFFFF  }
0x60: {  	_ =	shalt  }

</sc_bundles>
